<compile_context>
chip_gen: v7x
topology: tpu7x:2x2x1
jax: 0.10.2.dev20260603
libtpu: 0.0.44.dev20260713+nightly
codegen_flags: <defaults>
</compile_context>

<pallas_src>
import functools

import jax
import jax.numpy as jnp
from jax import lax
from jax.experimental import pallas as pl
from jax.experimental.pallas import tpu as pltpu
from jax.experimental.pallas import tpu_sc as plsc

_M = 512
_RADII = (0.1, 0.2, 0.4)
_KS = (16, 32, 64)
_MLPS = ((32, 32, 64), (64, 64, 128), (64, 96, 128))
_DIN = 64
_DPAD = 128
_EPS = 1e-5



def _fps_body(xs_ref, ys_ref, zs_ref, ax_ref, ay_ref, az_ref, *, n, m):
    xs = xs_ref[...]
    ys = ys_ref[...]
    zs = zs_ref[...]
    b = xs.shape[0]
    iota_n = lax.broadcasted_iota(jnp.int32, (b, n), 1).astype(jnp.float32)
    iota_m = lax.broadcasted_iota(jnp.int32, (b, m), 1)
    dist0 = jnp.full((b, n), 1e10, dtype=jnp.float32)
    cur0 = jnp.zeros((b, 1), dtype=jnp.float32)
    anc0 = jnp.zeros((b, m), dtype=jnp.float32)

    def body(i, carry):
        dist, cur, axc, ayc, azc = carry
        onehot = iota_n == cur
        cx = jnp.sum(jnp.where(onehot, xs, 0.0), axis=1, keepdims=True)
        cy = jnp.sum(jnp.where(onehot, ys, 0.0), axis=1, keepdims=True)
        cz = jnp.sum(jnp.where(onehot, zs, 0.0), axis=1, keepdims=True)
        sel = iota_m == i
        axc = jnp.where(sel, cx, axc)
        ayc = jnp.where(sel, cy, ayc)
        azc = jnp.where(sel, cz, azc)
        d = (xs - cx) ** 2 + (ys - cy) ** 2 + (zs - cz) ** 2
        dist = jnp.minimum(dist, d)
        mx = jnp.max(dist, axis=1, keepdims=True)
        nxt = jnp.min(jnp.where(dist == mx, iota_n, 3e4), axis=1,
                      keepdims=True)
        return (dist, nxt, axc, ayc, azc)

    _, _, axc, ayc, azc = lax.fori_loop(
        0, m, body, (dist0, cur0, anc0, anc0, anc0))
    ax_ref[...] = axc
    ay_ref[...] = ayc
    az_ref[...] = azc


def _run_fps(xs, ys, zs):
    b, n = xs.shape
    body = functools.partial(_fps_body, n=n, m=_M)
    out = jax.ShapeDtypeStruct((b, _M), jnp.float32)
    return pl.pallas_call(
        body,
        out_shape=(out, out, out),
    )(xs, ys, zs)



def _ballq_body(xs_ref, ys_ref, zs_ref, ax_ref, ay_ref, az_ref,
                o0_ref, o1_ref, o2_ref, *, n, ks, r2s, ta):
    bidx = pl.program_id(0)
    xs = xs_ref[0]
    ys = ys_ref[0]
    zs = zs_ref[0]
    axv = ax_ref[...]
    ayv = ay_ref[...]
    azv = az_ref[...]
    d2 = (axv - xs) ** 2 + (ayv - ys) ** 2 + (azv - zs) ** 2
    iota_n = lax.broadcasted_iota(jnp.int32, (ta, n), 1).astype(jnp.float32)

    for out_ref, k, r2 in zip((o0_ref, o1_ref, o2_ref), ks, r2s):
        iota_k = lax.broadcasted_iota(jnp.int32, (ta, k), 1)
        vals0 = jnp.where(d2 < r2, iota_n, float(n))
        out0 = jnp.zeros((ta, k), dtype=jnp.float32)

        def body(j, carry):
            vals, out = carry
            mn = jnp.min(vals, axis=1, keepdims=True)
            out = jnp.where(iota_k == j, mn, out)
            vals = jnp.where(vals == mn, 3e4, vals)
            return (vals, out)

        _, out = lax.fori_loop(0, k, body, (vals0, out0))
        first = out[:, 0:1]
        first = jnp.where(first >= float(n), 0.0, first)
        out = jnp.where(out >= float(n), first, out)
        out_ref[...] = out.astype(jnp.int32) + bidx * n


def _run_ballq(xs, ys, zs, ax_t, ay_t, az_t):
    b, n = xs.shape
    ta = 128
    tiles = _M // ta
    body = functools.partial(
        _ballq_body, n=n, ks=_KS, ta=ta,
        r2s=tuple(float(r) * float(r) for r in _RADII))
    row = pl.BlockSpec((1, 1, n), lambda bi, t: (bi, 0, 0))
    anc = pl.BlockSpec((ta, 1), lambda bi, t: (bi * tiles + t, 0))
    xs3 = xs.reshape(b, 1, n)
    ys3 = ys.reshape(b, 1, n)
    zs3 = zs.reshape(b, 1, n)
    kspec = lambda k: pl.BlockSpec((ta, k), lambda bi, t: (bi * tiles + t, 0))
    return pl.pallas_call(
        body,
        grid=(b, tiles),
        in_specs=[row, row, row, anc, anc, anc],
        out_specs=tuple(kspec(k) for k in _KS),
        out_shape=tuple(jax.ShapeDtypeStruct((b * _M, k), jnp.int32)
                        for k in _KS),
    )(xs3, ys3, zs3, ax_t, ay_t, az_t)



def _make_gather(rtot, d):
    info = plsc.get_sparse_core_info()
    nw = info.num_cores * info.num_subcores
    rpw = rtot // nw
    ch = min(512, rpw)
    nit = rpw // ch
    mesh = plsc.VectorSubcoreMesh(core_axis_name="c", subcore_axis_name="s")

    @functools.partial(
        pl.kernel, mesh=mesh,
        out_type=jax.ShapeDtypeStruct((rtot, d), jnp.float32),
        scratch_types=[
            pltpu.VMEM((ch,), jnp.int32),
            pltpu.VMEM((ch, d), jnp.float32),
            pltpu.SemaphoreType.DMA,
        ],
    )
    def gk(table_hbm, idx_hbm, out_hbm, idx_v, rows_v, sem):
        wid = lax.axis_index("s") * info.num_cores + lax.axis_index("c")
        base = wid * rpw

        def body(it, carry):
            off = base + it * ch
            pltpu.sync_copy(idx_hbm.at[pl.ds(off, ch)], idx_v)
            pltpu.async_copy(table_hbm.at[idx_v], rows_v, sem).wait()
            pltpu.sync_copy(rows_v, out_hbm.at[pl.ds(off, ch)])
            return carry

        lax.fori_loop(0, nit, body, 0)

    return gk



def _m1_body(x_ref, a_ref, w_ref, y_ref, st_ref):
    x = x_ref[...] - a_ref[...]
    y = jax.lax.dot_general(x, w_ref[...], (((1,), (0,)), ((), ())),
                            preferred_element_type=jnp.float32)
    y_ref[...] = y

    @pl.when(pl.program_id(0) == 0)
    def _():
        st_ref[...] = jnp.zeros_like(st_ref)

    c = y.shape[1]
    sm = jnp.sum(y, axis=0, keepdims=True)
    sq = jnp.sum(y * y, axis=0, keepdims=True)
    st_ref[...] += jnp.concatenate(
        [sm, sq, jnp.zeros((6, c), jnp.float32)], axis=0)


def _affine(st, gb, inv_n):
    mean = st[0:1, :] * inv_n
    var = st[1:2, :] * inv_n - mean * mean
    s = gb[0:1, :] / jnp.sqrt(var + _EPS)
    t = gb[1:2, :] - mean * s
    return s, t


def _mmid_body(x_ref, st_in_ref, gb_ref, w_ref, y_ref, st_ref, *, inv_n):
    s, t = _affine(st_in_ref[...], gb_ref[...], inv_n)
    h = jnp.maximum(x_ref[...] * s + t, 0.0)
    y = jax.lax.dot_general(h, w_ref[...], (((1,), (0,)), ((), ())),
                            preferred_element_type=jnp.float32)
    y_ref[...] = y

    @pl.when(pl.program_id(0) == 0)
    def _():
        st_ref[...] = jnp.zeros_like(st_ref)

    c = y.shape[1]
    sm = jnp.sum(y, axis=0, keepdims=True)
    sq = jnp.sum(y * y, axis=0, keepdims=True)
    st_ref[...] += jnp.concatenate(
        [sm, sq, jnp.zeros((6, c), jnp.float32)], axis=0)


def _mpool_body(x_ref, st_in_ref, gb_ref, o_ref, *, inv_n):
    s, t = _affine(st_in_ref[...], gb_ref[...], inv_n)
    h = jnp.maximum(x_ref[...] * s[None] + t[None], 0.0)
    o_ref[...] = jnp.max(h, axis=1)


def _run_m1(x0, a0, w, tr=1024):
    r, din = x0.shape
    c = w.shape[1]
    grid = r // tr
    return pl.pallas_call(
        _m1_body,
        grid=(grid,),
        in_specs=[
            pl.BlockSpec((tr, din), lambda i: (i, 0)),
            pl.BlockSpec((tr, din), lambda i: (i, 0)),
            pl.BlockSpec((din, c), lambda i: (0, 0)),
        ],
        out_specs=(
            pl.BlockSpec((tr, c), lambda i: (i, 0)),
            pl.BlockSpec((8, c), lambda i: (0, 0)),
        ),
        out_shape=(
            jax.ShapeDtypeStruct((r, c), jnp.float32),
            jax.ShapeDtypeStruct((8, c), jnp.float32),
        ),
    )(x0, a0, w)


def _run_mmid(x, st, gb, w, tr=1024):
    r, cp = x.shape
    c = w.shape[1]
    grid = r // tr
    body = functools.partial(_mmid_body, inv_n=1.0 / r)
    return pl.pallas_call(
        body,
        grid=(grid,),
        in_specs=[
            pl.BlockSpec((tr, cp), lambda i: (i, 0)),
            pl.BlockSpec((8, cp), lambda i: (0, 0)),
            pl.BlockSpec((8, cp), lambda i: (0, 0)),
            pl.BlockSpec((cp, c), lambda i: (0, 0)),
        ],
        out_specs=(
            pl.BlockSpec((tr, c), lambda i: (i, 0)),
            pl.BlockSpec((8, c), lambda i: (0, 0)),
        ),
        out_shape=(
            jax.ShapeDtypeStruct((r, c), jnp.float32),
            jax.ShapeDtypeStruct((8, c), jnp.float32),
        ),
    )(x, st, gb, w)


def _run_mpool(y3, st, gb, k, tp=64):
    r, c = y3.shape
    na = r // k
    x3 = y3.reshape(na, k, c)
    grid = na // tp
    body = functools.partial(_mpool_body, inv_n=1.0 / r)
    return pl.pallas_call(
        body,
        grid=(grid,),
        in_specs=[
            pl.BlockSpec((tp, k, c), lambda i: (i, 0, 0)),
            pl.BlockSpec((8, c), lambda i: (0, 0)),
            pl.BlockSpec((8, c), lambda i: (0, 0)),
        ],
        out_specs=pl.BlockSpec((tp, c), lambda i: (i, 0)),
        out_shape=jax.ShapeDtypeStruct((na, c), jnp.float32),
    )(x3, st, gb)



def _pack_gb(g, bta):
    c = g.shape[0]
    return jnp.concatenate(
        [g[None, :], bta[None, :], jnp.zeros((6, c), jnp.float32)], axis=0)


def kernel(coords, features, params):
    b, n, _ = coords.shape
    coords = jax.lax.stop_gradient(coords)
    xs = coords[..., 0]
    ys = coords[..., 1]
    zs = coords[..., 2]

    ax, ay, az = _run_fps(xs, ys, zs)
    anchor_coords = jnp.stack([ax, ay, az], axis=-1)

    ax_t = ax.reshape(b * _M, 1)
    ay_t = ay.reshape(b * _M, 1)
    az_t = az.reshape(b * _M, 1)

    pad = jnp.zeros((b, n, _DPAD - 3 - _DIN), jnp.float32)
    table = jnp.concatenate([coords, features, pad], axis=-1)
    table = table.reshape(b * n, _DPAD)

    gidxs = _run_ballq(xs, ys, zs, ax_t, ay_t, az_t)

    outs = []
    for (gidx, k, mlp, layers) in zip(gidxs, _KS, _MLPS, params):
        rtot = b * _M * k
        gather = _make_gather(rtot, _DPAD)
        x0 = gather(table, gidx.reshape(rtot))

        arep = jnp.broadcast_to(anchor_coords[:, :, None, :],
                                (b, _M, k, 3)).reshape(rtot, 3)
        a0 = jnp.concatenate(
            [arep, jnp.zeros((rtot, _DPAD - 3), jnp.float32)], axis=-1)

        (w1, g1, b1), (w2, g2, b2), (w3, g3, b3) = layers
        w1p = jnp.concatenate(
            [w1.T, jnp.zeros((_DPAD - w1.shape[1], w1.shape[0]),
                             jnp.float32)], axis=0)

        y1, st1 = _run_m1(x0, a0, w1p)
        y2, st2 = _run_mmid(y1, st1, _pack_gb(g1, b1), w2.T)
        y3, st3 = _run_mmid(y2, st2, _pack_gb(g2, b2), w3.T)
        o = _run_mpool(y3, st3, _pack_gb(g3, b3), k)
        outs.append(o.reshape(b, _M, -1).transpose(0, 2, 1))

    multi_scale = jnp.concatenate(outs, axis=1)
    return (anchor_coords, multi_scale)

# --- scband reference (transcript-rebuilt; emitter-appended) ---
"""Pipeline reference for scband-multi-scale-local-encoder-81870666596704 (READ-ONLY COPY).

The authoritative reference and input builder live on the scoring server;
editing this copy changes nothing except your own understanding.
"""

import jax, jax.numpy as jnp
import numpy as np

NUM_ANCHORS = 512
RADII = [0.1, 0.2, 0.4]
NEIGHBORS = [16, 32, 64]
MLP_CONFIGS = [[32, 32, 64], [64, 64, 128], [64, 96, 128]]
INPUT_FEATURES = 64
BN_EPS = 1e-5


def _fps(xyz, npoint):
    # furthest point sampling: returns int32 [B, npoint] indices
    B, N, _ = xyz.shape
    dist0 = jnp.full((B, N), 1e10, dtype=jnp.float32)
    idxs0 = jnp.zeros((B, npoint), dtype=jnp.int32)
    def body(i, carry):
        dist, idxs = carry
        cur = idxs[:, i]
        centroid = jnp.take_along_axis(xyz, cur[:, None, None], axis=1)  # [B,1,3]
        d = jnp.sum((xyz - centroid) ** 2, axis=-1)
        dist = jnp.minimum(dist, d)
        nxt = jnp.argmax(dist, axis=-1).astype(jnp.int32)
        idxs = idxs.at[:, i + 1].set(nxt)
        return (dist, idxs)
    _, idxs = jax.lax.fori_loop(0, npoint - 1, body, (dist0, idxs0))
    return idxs


def _ball_query(radius, nsample, coords, anchors):
    # coords: [B,N,3], anchors: [B,M,3] -> int32 [B,M,nsample]
    N = coords.shape[1]
    d2 = jnp.sum((anchors[:, :, None, :] - coords[:, None, :, :]) ** 2, axis=-1)  # [B,M,N]
    in_range = d2 < radius * radius
    cand = jnp.where(in_range, jnp.arange(N, dtype=jnp.int32)[None, None, :], jnp.int32(N))
    cand = jnp.sort(cand, axis=-1)[..., :nsample]
    first = cand[..., :1]
    first = jnp.where(first >= N, jnp.int32(0), first)
    idx = jnp.where(cand >= N, first, cand)
    return idx


def _group(feats_t, idx):
    # feats_t: [B,C,N], idx: [B,M,K] -> [B,C,M,K]
    return jax.vmap(lambda f, i: f[:, i])(feats_t, idx)


def _bn_relu(x, gamma, beta):
    # training-mode BatchNorm2d over (B, M, K) per channel + ReLU
    mean = jnp.mean(x, axis=(0, 2, 3), keepdims=True)
    var = jnp.var(x, axis=(0, 2, 3), keepdims=True)
    xh = (x - mean) / jnp.sqrt(var + BN_EPS)
    return jax.nn.relu(xh * gamma[None, :, None, None] + beta[None, :, None, None])


def setup_inputs(seed: int = 0):
    key = jax.random.key(seed)
    k1, k2, kp = jax.random.split(key, 3)
    coords = jax.random.uniform(k1, (4, 8192, 3), dtype=jnp.float32)
    features = jax.random.normal(k2, (4, 8192, INPUT_FEATURES), dtype=jnp.float32)
    params = []
    for mlp in MLP_CONFIGS:
        prev = INPUT_FEATURES + 3
        layers = []
        for out in mlp:
            kp, kw = jax.random.split(kp)
            W = jax.random.normal(kw, (out, prev), dtype=jnp.float32) * (1.0 / np.sqrt(prev))
            gamma = jnp.ones((out,), dtype=jnp.float32)
            beta = jnp.zeros((out,), dtype=jnp.float32)
            layers.append((W, gamma, beta))
            prev = out
        params.append(tuple(layers))
    return {"coords": coords, "features": features, "params": tuple(params)}


def reference(coords, features, params):
    coords_c = jax.lax.stop_gradient(coords)
    anchor_idx = _fps(coords_c, NUM_ANCHORS)  # [B,M]
    anchors_c = jax.vmap(lambda c, i: c[i])(coords_c, anchor_idx)  # [B,M,3]
    neigh_idxs = [_ball_query(r, k, coords_c, anchors_c) for r, k in zip(RADII, NEIGHBORS)]

    coords_t = jnp.transpose(coords, (0, 2, 1))  # [B,3,N]
    anchor_coords_t = jax.vmap(lambda f, i: f[:, i])(coords_t, anchor_idx)  # [B,3,M]
    anchor_coords = jnp.transpose(anchor_coords_t, (0, 2, 1))  # [B,M,3]
    feats_t = jnp.transpose(features, (0, 2, 1))  # [B,D,N]

    scale_outputs = []
    for idx, layers in zip(neigh_idxs, params):
        grouped_xyz = _group(coords_t, idx)  # [B,3,M,K]
        grouped_xyz = grouped_xyz - anchor_coords_t[..., None]
        grouped_feats = _group(feats_t, idx)  # [B,D,M,K]
        x = jnp.concatenate([grouped_xyz, grouped_feats], axis=1)  # [B,3+D,M,K]
        for (W, g, b) in layers:
            x = jnp.einsum('oi,bimk->bomk', W, x)
            x = _bn_relu(x, g, b)
        scale_outputs.append(jnp.max(x, axis=3))  # [B,C,M]
    multi_scale = jnp.concatenate(scale_outputs, axis=1)  # [B,320,M]
    return (anchor_coords, multi_scale)

if __name__ == "__main__":
    import jax
    _d = setup_inputs()
    print(jax.jit(kernel)(*tuple(_d.values())))

</pallas_src>

<mosaic_0001>
#map = affine_map<(d0, d1) -> (0, 0)>
#map1 = affine_map<(d0, d1) -> (0)>
module attributes {stable_mosaic.version = 14 : i64} {
  func.func @gk(%arg0: i32, %arg1: i32, %arg2: memref<32768x128xf32, #tpu.memory_space<hbm>>, %arg3: memref<32768xi32, #tpu.memory_space<hbm>>, %arg4: memref<32768x128xf32, #tpu.memory_space<hbm>>, %arg5: memref<512xi32, #tpu.memory_space<vmem>>, %arg6: memref<512x128xf32, #tpu.memory_space<vmem>>, %arg7: memref<!tpu.dma_semaphore, #tpu.memory_space<semaphore_mem>>) attributes {dimension_semantics = [#tpu.dimension_semantics<core_parallel>, #tpu.dimension_semantics<subcore_parallel>], iteration_bounds = array<i64: 2, 16>, scalar_prefetch = 0 : i64, scratch_operands = 3 : i64, tpu.core_type = #tpu.core_type<sc_vector_subcore>, window_params = [{transform_indices = #map}, {transform_indices = #map1}, {transform_indices = #map}]} {
    %mul3A = arith.constant 2 : i32
    %mul3A_0 = arith.muli %arg1, %mul3A : i32
    %add3A = arith.addi %mul3A_0, %arg0 : i32
    %mul3A_1 = arith.constant 1024 : i32
    %mul3A_2 = arith.muli %add3A, %mul3A_1 : i32
    %scan3A = arith.constant 0 : i32
    %scan3A_3 = arith.constant 0 : i32
    %scan3A_4 = arith.constant 2 : i32
    %scan3A_5 = arith.addi %scan3A_3, %scan3A_4 : i32
    %scan3A_6 = arith.constant 1 : i32
    scf.for %scan3A_8 = %scan3A_3 to %scan3A_5 step %scan3A_6  : i32 {
      %mul3A_9 = arith.constant 512 : i32
      %mul3A_10 = arith.muli %scan3A_8, %mul3A_9 : i32
      %add3A_11 = arith.addi %mul3A_2, %mul3A_10 : i32
      "tpu.region"() ({
        %run_scoped3A = tpu.sem_alloc : memref<!tpu.dma_semaphore, #tpu.memory_space<semaphore_mem>>
        %dma_start3A_16 = tpu.memref_slice %arg3[%add3A_11] : memref<32768xi32, #tpu.memory_space<hbm>> -> memref<512xi32, #tpu.memory_space<hbm>>
        %dma_start3A_17 = tpu.memref_slice %arg3[%add3A_11] : memref<32768xi32, #tpu.memory_space<hbm>> -> memref<512xi32, #tpu.memory_space<hbm>>
        tpu.enqueue_dma source(%dma_start3A_17 : memref<512xi32, #tpu.memory_space<hbm>>) target(%arg5 : memref<512xi32, #tpu.memory_space<vmem>>) target_semaphore(%run_scoped3A : memref<!tpu.dma_semaphore, #tpu.memory_space<semaphore_mem>>)
        %dma_wait3A_18 = tpu.memref_slice %arg3[%add3A_11] : memref<32768xi32, #tpu.memory_space<hbm>> -> memref<512xi32, #tpu.memory_space<hbm>>
        %dma_wait3A_19 = tpu.memref_slice %arg3[%add3A_11] : memref<32768xi32, #tpu.memory_space<hbm>> -> memref<512xi32, #tpu.memory_space<hbm>>
        tpu.wait_dma2 semaphore(%run_scoped3A : memref<!tpu.dma_semaphore, #tpu.memory_space<semaphore_mem>>) src(%dma_wait3A_19 : memref<512xi32, #tpu.memory_space<hbm>>) dst(%arg5 : memref<512xi32, #tpu.memory_space<vmem>>)
        tpu.yield
      }) : () -> ()
      %dma_start3A = arith.constant 0 : i32
      %dma_start3A_12 = arith.constant 0 : i32
      %dma_start3A_13 = tpu.memref_slice %arg2[%dma_start3A, %dma_start3A_12] : memref<32768x128xf32, #tpu.memory_space<hbm>> -> memref<32768x128xf32, #tpu.memory_space<hbm>>
      tpu.enqueue_indirect_dma source(%dma_start3A_13 : memref<32768x128xf32, #tpu.memory_space<hbm>>) target(%arg6 : memref<512x128xf32, #tpu.memory_space<vmem>>) offsets(%arg5 : memref<512xi32, #tpu.memory_space<vmem>>) semaphore(%arg7 : memref<!tpu.dma_semaphore, #tpu.memory_space<semaphore_mem>>)
      %dma_wait3A = arith.constant 0 : i32
      %dma_wait3A_14 = arith.constant 0 : i32
      %dma_wait3A_15 = tpu.memref_slice %arg2[%dma_wait3A, %dma_wait3A_14] : memref<32768x128xf32, #tpu.memory_space<hbm>> -> memref<32768x128xf32, #tpu.memory_space<hbm>>
      tpu.wait_indirect_dma semaphore(%arg7 : memref<!tpu.dma_semaphore, #tpu.memory_space<semaphore_mem>>) src(%dma_wait3A_15 : memref<32768x128xf32, #tpu.memory_space<hbm>>) dst(%arg6 : memref<512x128xf32, #tpu.memory_space<vmem>>)
      "tpu.region"() ({
        %run_scoped3A = tpu.sem_alloc : memref<!tpu.dma_semaphore, #tpu.memory_space<semaphore_mem>>
        %dma_start3A_16 = arith.constant 0 : i32
        %dma_start3A_17 = tpu.memref_slice %arg4[%add3A_11, %dma_start3A_16] : memref<32768x128xf32, #tpu.memory_space<hbm>> -> memref<512x128xf32, #tpu.memory_space<hbm>>
        %dma_start3A_18 = arith.constant 0 : i32
        %dma_start3A_19 = tpu.memref_slice %arg4[%add3A_11, %dma_start3A_18] : memref<32768x128xf32, #tpu.memory_space<hbm>> -> memref<512x128xf32, #tpu.memory_space<hbm>>
        tpu.enqueue_dma source(%arg6 : memref<512x128xf32, #tpu.memory_space<vmem>>) target(%dma_start3A_19 : memref<512x128xf32, #tpu.memory_space<hbm>>) target_semaphore(%run_scoped3A : memref<!tpu.dma_semaphore, #tpu.memory_space<semaphore_mem>>)
        %dma_wait3A_20 = arith.constant 0 : i32
        %dma_wait3A_21 = tpu.memref_slice %arg4[%add3A_11, %dma_wait3A_20] : memref<32768x128xf32, #tpu.memory_space<hbm>> -> memref<512x128xf32, #tpu.memory_space<hbm>>
        %dma_wait3A_22 = arith.constant 0 : i32
        %dma_wait3A_23 = tpu.memref_slice %arg4[%add3A_11, %dma_wait3A_22] : memref<32768x128xf32, #tpu.memory_space<hbm>> -> memref<512x128xf32, #tpu.memory_space<hbm>>
        tpu.wait_dma2 semaphore(%run_scoped3A : memref<!tpu.dma_semaphore, #tpu.memory_space<semaphore_mem>>) src(%arg6 : memref<512x128xf32, #tpu.memory_space<vmem>>) dst(%dma_wait3A_23 : memref<512x128xf32, #tpu.memory_space<hbm>>)
        tpu.yield
      }) : () -> ()
    }
    %scan3A_7 = arith.constant 2 : i32
    return
  }
}

#map = affine_map<(d0, d1) -> (0, 0)>
#map1 = affine_map<(d0, d1) -> (0)>
module attributes {stable_mosaic.version = 14 : i64} {
  func.func @gk(%arg0: i32, %arg1: i32, %arg2: memref<32768x128xf32, #tpu.memory_space<hbm>>, %arg3: memref<65536xi32, #tpu.memory_space<hbm>>, %arg4: memref<65536x128xf32, #tpu.memory_space<hbm>>, %arg5: memref<512xi32, #tpu.memory_space<vmem>>, %arg6: memref<512x128xf32, #tpu.memory_space<vmem>>, %arg7: memref<!tpu.dma_semaphore, #tpu.memory_space<semaphore_mem>>) attributes {dimension_semantics = [#tpu.dimension_semantics<core_parallel>, #tpu.dimension_semantics<subcore_parallel>], iteration_bounds = array<i64: 2, 16>, scalar_prefetch = 0 : i64, scratch_operands = 3 : i64, tpu.core_type = #tpu.core_type<sc_vector_subcore>, window_params = [{transform_indices = #map}, {transform_indices = #map1}, {transform_indices = #map}]} {
    %mul3A = arith.constant 2 : i32
    %mul3A_0 = arith.muli %arg1, %mul3A : i32
    %add3A = arith.addi %mul3A_0, %arg0 : i32
    %mul3A_1 = arith.constant 2048 : i32
    %mul3A_2 = arith.muli %add3A, %mul3A_1 : i32
    %scan3A = arith.constant 0 : i32
    %scan3A_3 = arith.constant 0 : i32
    %scan3A_4 = arith.constant 4 : i32
    %scan3A_5 = arith.addi %scan3A_3, %scan3A_4 : i32
    %scan3A_6 = arith.constant 1 : i32
    scf.for %scan3A_8 = %scan3A_3 to %scan3A_5 step %scan3A_6  : i32 {
      %mul3A_9 = arith.constant 512 : i32
      %mul3A_10 = arith.muli %scan3A_8, %mul3A_9 : i32
      %add3A_11 = arith.addi %mul3A_2, %mul3A_10 : i32
      "tpu.region"() ({
        %run_scoped3A = tpu.sem_alloc : memref<!tpu.dma_semaphore, #tpu.memory_space<semaphore_mem>>
        %dma_start3A_16 = tpu.memref_slice %arg3[%add3A_11] : memref<65536xi32, #tpu.memory_space<hbm>> -> memref<512xi32, #tpu.memory_space<hbm>>
        %dma_start3A_17 = tpu.memref_slice %arg3[%add3A_11] : memref<65536xi32, #tpu.memory_space<hbm>> -> memref<512xi32, #tpu.memory_space<hbm>>
        tpu.enqueue_dma source(%dma_start3A_17 : memref<512xi32, #tpu.memory_space<hbm>>) target(%arg5 : memref<512xi32, #tpu.memory_space<vmem>>) target_semaphore(%run_scoped3A : memref<!tpu.dma_semaphore, #tpu.memory_space<semaphore_mem>>)
        %dma_wait3A_18 = tpu.memref_slice %arg3[%add3A_11] : memref<65536xi32, #tpu.memory_space<hbm>> -> memref<512xi32, #tpu.memory_space<hbm>>
        %dma_wait3A_19 = tpu.memref_slice %arg3[%add3A_11] : memref<65536xi32, #tpu.memory_space<hbm>> -> memref<512xi32, #tpu.memory_space<hbm>>
        tpu.wait_dma2 semaphore(%run_scoped3A : memref<!tpu.dma_semaphore, #tpu.memory_space<semaphore_mem>>) src(%dma_wait3A_19 : memref<512xi32, #tpu.memory_space<hbm>>) dst(%arg5 : memref<512xi32, #tpu.memory_space<vmem>>)
        tpu.yield
      }) : () -> ()
      %dma_start3A = arith.constant 0 : i32
      %dma_start3A_12 = arith.constant 0 : i32
      %dma_start3A_13 = tpu.memref_slice %arg2[%dma_start3A, %dma_start3A_12] : memref<32768x128xf32, #tpu.memory_space<hbm>> -> memref<32768x128xf32, #tpu.memory_space<hbm>>
      tpu.enqueue_indirect_dma source(%dma_start3A_13 : memref<32768x128xf32, #tpu.memory_space<hbm>>) target(%arg6 : memref<512x128xf32, #tpu.memory_space<vmem>>) offsets(%arg5 : memref<512xi32, #tpu.memory_space<vmem>>) semaphore(%arg7 : memref<!tpu.dma_semaphore, #tpu.memory_space<semaphore_mem>>)
      %dma_wait3A = arith.constant 0 : i32
      %dma_wait3A_14 = arith.constant 0 : i32
      %dma_wait3A_15 = tpu.memref_slice %arg2[%dma_wait3A, %dma_wait3A_14] : memref<32768x128xf32, #tpu.memory_space<hbm>> -> memref<32768x128xf32, #tpu.memory_space<hbm>>
      tpu.wait_indirect_dma semaphore(%arg7 : memref<!tpu.dma_semaphore, #tpu.memory_space<semaphore_mem>>) src(%dma_wait3A_15 : memref<32768x128xf32, #tpu.memory_space<hbm>>) dst(%arg6 : memref<512x128xf32, #tpu.memory_space<vmem>>)
      "tpu.region"() ({
        %run_scoped3A = tpu.sem_alloc : memref<!tpu.dma_semaphore, #tpu.memory_space<semaphore_mem>>
        %dma_start3A_16 = arith.constant 0 : i32
        %dma_start3A_17 = tpu.memref_slice %arg4[%add3A_11, %dma_start3A_16] : memref<65536x128xf32, #tpu.memory_space<hbm>> -> memref<512x128xf32, #tpu.memory_space<hbm>>
        %dma_start3A_18 = arith.constant 0 : i32
        %dma_start3A_19 = tpu.memref_slice %arg4[%add3A_11, %dma_start3A_18] : memref<65536x128xf32, #tpu.memory_space<hbm>> -> memref<512x128xf32, #tpu.memory_space<hbm>>
        tpu.enqueue_dma source(%arg6 : memref<512x128xf32, #tpu.memory_space<vmem>>) target(%dma_start3A_19 : memref<512x128xf32, #tpu.memory_space<hbm>>) target_semaphore(%run_scoped3A : memref<!tpu.dma_semaphore, #tpu.memory_space<semaphore_mem>>)
        %dma_wait3A_20 = arith.constant 0 : i32
        %dma_wait3A_21 = tpu.memref_slice %arg4[%add3A_11, %dma_wait3A_20] : memref<65536x128xf32, #tpu.memory_space<hbm>> -> memref<512x128xf32, #tpu.memory_space<hbm>>
        %dma_wait3A_22 = arith.constant 0 : i32
        %dma_wait3A_23 = tpu.memref_slice %arg4[%add3A_11, %dma_wait3A_22] : memref<65536x128xf32, #tpu.memory_space<hbm>> -> memref<512x128xf32, #tpu.memory_space<hbm>>
        tpu.wait_dma2 semaphore(%run_scoped3A : memref<!tpu.dma_semaphore, #tpu.memory_space<semaphore_mem>>) src(%arg6 : memref<512x128xf32, #tpu.memory_space<vmem>>) dst(%dma_wait3A_23 : memref<512x128xf32, #tpu.memory_space<hbm>>)
        tpu.yield
      }) : () -> ()
    }
    %scan3A_7 = arith.constant 4 : i32
    return
  }
}

#map = affine_map<(d0, d1) -> (0, 0)>
#map1 = affine_map<(d0, d1) -> (0)>
module attributes {stable_mosaic.version = 14 : i64} {
  func.func @gk(%arg0: i32, %arg1: i32, %arg2: memref<32768x128xf32, #tpu.memory_space<hbm>>, %arg3: memref<131072xi32, #tpu.memory_space<hbm>>, %arg4: memref<131072x128xf32, #tpu.memory_space<hbm>>, %arg5: memref<512xi32, #tpu.memory_space<vmem>>, %arg6: memref<512x128xf32, #tpu.memory_space<vmem>>, %arg7: memref<!tpu.dma_semaphore, #tpu.memory_space<semaphore_mem>>) attributes {dimension_semantics = [#tpu.dimension_semantics<core_parallel>, #tpu.dimension_semantics<subcore_parallel>], iteration_bounds = array<i64: 2, 16>, scalar_prefetch = 0 : i64, scratch_operands = 3 : i64, tpu.core_type = #tpu.core_type<sc_vector_subcore>, window_params = [{transform_indices = #map}, {transform_indices = #map1}, {transform_indices = #map}]} {
    %mul3A = arith.constant 2 : i32
    %mul3A_0 = arith.muli %arg1, %mul3A : i32
    %add3A = arith.addi %mul3A_0, %arg0 : i32
    %mul3A_1 = arith.constant 4096 : i32
    %mul3A_2 = arith.muli %add3A, %mul3A_1 : i32
    %scan3A = arith.constant 0 : i32
    %scan3A_3 = arith.constant 0 : i32
    %scan3A_4 = arith.constant 8 : i32
    %scan3A_5 = arith.addi %scan3A_3, %scan3A_4 : i32
    %scan3A_6 = arith.constant 1 : i32
    scf.for %scan3A_8 = %scan3A_3 to %scan3A_5 step %scan3A_6  : i32 {
      %mul3A_9 = arith.constant 512 : i32
      %mul3A_10 = arith.muli %scan3A_8, %mul3A_9 : i32
      %add3A_11 = arith.addi %mul3A_2, %mul3A_10 : i32
      "tpu.region"() ({
        %run_scoped3A = tpu.sem_alloc : memref<!tpu.dma_semaphore, #tpu.memory_space<semaphore_mem>>
        %dma_start3A_16 = tpu.memref_slice %arg3[%add3A_11] : memref<131072xi32, #tpu.memory_space<hbm>> -> memref<512xi32, #tpu.memory_space<hbm>>
        %dma_start3A_17 = tpu.memref_slice %arg3[%add3A_11] : memref<131072xi32, #tpu.memory_space<hbm>> -> memref<512xi32, #tpu.memory_space<hbm>>
        tpu.enqueue_dma source(%dma_start3A_17 : memref<512xi32, #tpu.memory_space<hbm>>) target(%arg5 : memref<512xi32, #tpu.memory_space<vmem>>) target_semaphore(%run_scoped3A : memref<!tpu.dma_semaphore, #tpu.memory_space<semaphore_mem>>)
        %dma_wait3A_18 = tpu.memref_slice %arg3[%add3A_11] : memref<131072xi32, #tpu.memory_space<hbm>> -> memref<512xi32, #tpu.memory_space<hbm>>
        %dma_wait3A_19 = tpu.memref_slice %arg3[%add3A_11] : memref<131072xi32, #tpu.memory_space<hbm>> -> memref<512xi32, #tpu.memory_space<hbm>>
        tpu.wait_dma2 semaphore(%run_scoped3A : memref<!tpu.dma_semaphore, #tpu.memory_space<semaphore_mem>>) src(%dma_wait3A_19 : memref<512xi32, #tpu.memory_space<hbm>>) dst(%arg5 : memref<512xi32, #tpu.memory_space<vmem>>)
        tpu.yield
      }) : () -> ()
      %dma_start3A = arith.constant 0 : i32
      %dma_start3A_12 = arith.constant 0 : i32
      %dma_start3A_13 = tpu.memref_slice %arg2[%dma_start3A, %dma_start3A_12] : memref<32768x128xf32, #tpu.memory_space<hbm>> -> memref<32768x128xf32, #tpu.memory_space<hbm>>
      tpu.enqueue_indirect_dma source(%dma_start3A_13 : memref<32768x128xf32, #tpu.memory_space<hbm>>) target(%arg6 : memref<512x128xf32, #tpu.memory_space<vmem>>) offsets(%arg5 : memref<512xi32, #tpu.memory_space<vmem>>) semaphore(%arg7 : memref<!tpu.dma_semaphore, #tpu.memory_space<semaphore_mem>>)
      %dma_wait3A = arith.constant 0 : i32
      %dma_wait3A_14 = arith.constant 0 : i32
      %dma_wait3A_15 = tpu.memref_slice %arg2[%dma_wait3A, %dma_wait3A_14] : memref<32768x128xf32, #tpu.memory_space<hbm>> -> memref<32768x128xf32, #tpu.memory_space<hbm>>
      tpu.wait_indirect_dma semaphore(%arg7 : memref<!tpu.dma_semaphore, #tpu.memory_space<semaphore_mem>>) src(%dma_wait3A_15 : memref<32768x128xf32, #tpu.memory_space<hbm>>) dst(%arg6 : memref<512x128xf32, #tpu.memory_space<vmem>>)
      "tpu.region"() ({
        %run_scoped3A = tpu.sem_alloc : memref<!tpu.dma_semaphore, #tpu.memory_space<semaphore_mem>>
        %dma_start3A_16 = arith.constant 0 : i32
        %dma_start3A_17 = tpu.memref_slice %arg4[%add3A_11, %dma_start3A_16] : memref<131072x128xf32, #tpu.memory_space<hbm>> -> memref<512x128xf32, #tpu.memory_space<hbm>>
        %dma_start3A_18 = arith.constant 0 : i32
        %dma_start3A_19 = tpu.memref_slice %arg4[%add3A_11, %dma_start3A_18] : memref<131072x128xf32, #tpu.memory_space<hbm>> -> memref<512x128xf32, #tpu.memory_space<hbm>>
        tpu.enqueue_dma source(%arg6 : memref<512x128xf32, #tpu.memory_space<vmem>>) target(%dma_start3A_19 : memref<512x128xf32, #tpu.memory_space<hbm>>) target_semaphore(%run_scoped3A : memref<!tpu.dma_semaphore, #tpu.memory_space<semaphore_mem>>)
        %dma_wait3A_20 = arith.constant 0 : i32
        %dma_wait3A_21 = tpu.memref_slice %arg4[%add3A_11, %dma_wait3A_20] : memref<131072x128xf32, #tpu.memory_space<hbm>> -> memref<512x128xf32, #tpu.memory_space<hbm>>
        %dma_wait3A_22 = arith.constant 0 : i32
        %dma_wait3A_23 = tpu.memref_slice %arg4[%add3A_11, %dma_wait3A_22] : memref<131072x128xf32, #tpu.memory_space<hbm>> -> memref<512x128xf32, #tpu.memory_space<hbm>>
        tpu.wait_dma2 semaphore(%run_scoped3A : memref<!tpu.dma_semaphore, #tpu.memory_space<semaphore_mem>>) src(%arg6 : memref<512x128xf32, #tpu.memory_space<vmem>>) dst(%dma_wait3A_23 : memref<512x128xf32, #tpu.memory_space<hbm>>)
        tpu.yield
      }) : () -> ()
    }
    %scan3A_7 = arith.constant 8 : i32
    return
  }
}

module attributes {stable_mosaic.version = 14 : i64} {
  func.func @_fps_body(%arg0: memref<4x8192xf32, #tpu.memory_space<vmem>>, %arg1: memref<4x8192xf32, #tpu.memory_space<vmem>>, %arg2: memref<4x8192xf32, #tpu.memory_space<vmem>>, %arg3: memref<4x512xf32, #tpu.memory_space<vmem>>, %arg4: memref<4x512xf32, #tpu.memory_space<vmem>>, %arg5: memref<4x512xf32, #tpu.memory_space<vmem>>) attributes {dimension_semantics = [], scalar_prefetch = 0 : i64, scratch_operands = 0 : i64, tpu.core_type = #tpu.core_type<tc>} {
    %get3A = arith.constant 0 : index
    %get3A_0 = arith.constant 0 : index
    %get3A_1 = vector.load %arg0[%get3A, %get3A_0] : memref<4x8192xf32, #tpu.memory_space<vmem>>, vector<4x8192xf32>
    %get3A_2 = arith.constant 0 : index
    %get3A_3 = arith.constant 0 : index
    %get3A_4 = vector.load %arg1[%get3A_2, %get3A_3] : memref<4x8192xf32, #tpu.memory_space<vmem>>, vector<4x8192xf32>
    %get3A_5 = arith.constant 0 : index
    %get3A_6 = arith.constant 0 : index
    %get3A_7 = vector.load %arg2[%get3A_5, %get3A_6] : memref<4x8192xf32, #tpu.memory_space<vmem>>, vector<4x8192xf32>
    %iota3A = tpu.iota {dimensions = array<i32: 1>} : vector<4x8192xi32>
    %convert_element_type3A = arith.sitofp %iota3A : vector<4x8192xi32> to vector<4x8192xf32>
    %iota3A_8 = tpu.iota {dimensions = array<i32: 1>} : vector<4x512xi32>
    %broadcast_in_dim3A = arith.constant 1.000000e+10 : f32
    %broadcast_in_dim3A_9 = vector.broadcast %broadcast_in_dim3A : f32 to vector<4x8192xf32>
    %broadcast_in_dim3A_10 = arith.constant 0.000000e+00 : f32
    %broadcast_in_dim3A_11 = vector.broadcast %broadcast_in_dim3A_10 : f32 to vector<4x1xf32>
    %broadcast_in_dim3A_12 = arith.constant 0.000000e+00 : f32
    %broadcast_in_dim3A_13 = vector.broadcast %broadcast_in_dim3A_12 : f32 to vector<4x512xf32>
    %scan3A = arith.constant 0 : i32
    %scan3A_14 = arith.constant 512 : i32
    %scan3A_15 = arith.addi %scan3A, %scan3A_14 : i32
    %scan3A_16 = arith.constant 1 : i32
    %scan3A_17:5 = scf.for %scan3A_27 = %scan3A to %scan3A_15 step %scan3A_16 iter_args(%scan3A_28 = %broadcast_in_dim3A_9, %scan3A_29 = %broadcast_in_dim3A_11, %scan3A_30 = %broadcast_in_dim3A_13, %scan3A_31 = %broadcast_in_dim3A_13, %scan3A_32 = %broadcast_in_dim3A_13) -> (vector<4x8192xf32>, vector<4x1xf32>, vector<4x512xf32>, vector<4x512xf32>, vector<4x512xf32>)  : i32 {
      %eq3A = vector.broadcast %scan3A_29 : vector<4x1xf32> to vector<4x8192xf32>
      %eq3A_33 = arith.cmpf oeq, %convert_element_type3A, %eq3A : vector<4x8192xf32>
      %jit3A = arith.constant 0.000000e+00 : f32
      %broadcast_in_dim3A_34 = vector.broadcast %jit3A : f32 to vector<4x8192xf32>
      %select_n3A = arith.select %eq3A_33, %get3A_1, %broadcast_in_dim3A_34 : vector<4x8192xi1>, vector<4x8192xf32>
      %reduce_sum3A = arith.constant dense<0.000000e+00> : vector<4xf32>
      %reduce_sum3A_35 = vector.multi_reduction <add>, %select_n3A, %reduce_sum3A [1] : vector<4x8192xf32> to vector<4xf32>
      %broadcast_in_dim3A_36 = vector.shape_cast %reduce_sum3A_35 : vector<4xf32> to vector<4x1xf32>
      %jit3A_37 = arith.constant 0.000000e+00 : f32
      %broadcast_in_dim3A_38 = vector.broadcast %jit3A_37 : f32 to vector<4x8192xf32>
      %select_n3A_39 = arith.select %eq3A_33, %get3A_4, %broadcast_in_dim3A_38 : vector<4x8192xi1>, vector<4x8192xf32>
      %reduce_sum3A_40 = arith.constant dense<0.000000e+00> : vector<4xf32>
      %reduce_sum3A_41 = vector.multi_reduction <add>, %select_n3A_39, %reduce_sum3A_40 [1] : vector<4x8192xf32> to vector<4xf32>
      %broadcast_in_dim3A_42 = vector.shape_cast %reduce_sum3A_41 : vector<4xf32> to vector<4x1xf32>
      %jit3A_43 = arith.constant 0.000000e+00 : f32
      %broadcast_in_dim3A_44 = vector.broadcast %jit3A_43 : f32 to vector<4x8192xf32>
      %select_n3A_45 = arith.select %eq3A_33, %get3A_7, %broadcast_in_dim3A_44 : vector<4x8192xi1>, vector<4x8192xf32>
      %reduce_sum3A_46 = arith.constant dense<0.000000e+00> : vector<4xf32>
      %reduce_sum3A_47 = vector.multi_reduction <add>, %select_n3A_45, %reduce_sum3A_46 [1] : vector<4x8192xf32> to vector<4xf32>
      %broadcast_in_dim3A_48 = vector.shape_cast %reduce_sum3A_47 : vector<4xf32> to vector<4x1xf32>
      %eq3A_49 = vector.broadcast %scan3A_27 : i32 to vector<4x512xi32>
      %eq3A_50 = arith.cmpi eq, %iota3A_8, %eq3A_49 : vector<4x512xi32>
      %broadcast_in_dim3A_51 = vector.shape_cast %broadcast_in_dim3A_36 : vector<4x1xf32> to vector<4x1xf32>
      %broadcast_in_dim3A_52 = vector.broadcast %broadcast_in_dim3A_51 : vector<4x1xf32> to vector<4x512xf32>
      %select_n3A_53 = arith.select %eq3A_50, %broadcast_in_dim3A_52, %scan3A_30 : vector<4x512xi1>, vector<4x512xf32>
      %broadcast_in_dim3A_54 = vector.shape_cast %broadcast_in_dim3A_42 : vector<4x1xf32> to vector<4x1xf32>
      %broadcast_in_dim3A_55 = vector.broadcast %broadcast_in_dim3A_54 : vector<4x1xf32> to vector<4x512xf32>
      %select_n3A_56 = arith.select %eq3A_50, %broadcast_in_dim3A_55, %scan3A_31 : vector<4x512xi1>, vector<4x512xf32>
      %broadcast_in_dim3A_57 = vector.shape_cast %broadcast_in_dim3A_48 : vector<4x1xf32> to vector<4x1xf32>
      %broadcast_in_dim3A_58 = vector.broadcast %broadcast_in_dim3A_57 : vector<4x1xf32> to vector<4x512xf32>
      %select_n3A_59 = arith.select %eq3A_50, %broadcast_in_dim3A_58, %scan3A_32 : vector<4x512xi1>, vector<4x512xf32>
      %sub3A = vector.broadcast %broadcast_in_dim3A_36 : vector<4x1xf32> to vector<4x8192xf32>
      %sub3A_60 = arith.subf %get3A_1, %sub3A : vector<4x8192xf32>
      %integer_pow3A = arith.mulf %sub3A_60, %sub3A_60 : vector<4x8192xf32>
      %sub3A_61 = vector.broadcast %broadcast_in_dim3A_42 : vector<4x1xf32> to vector<4x8192xf32>
      %sub3A_62 = arith.subf %get3A_4, %sub3A_61 : vector<4x8192xf32>
      %integer_pow3A_63 = arith.mulf %sub3A_62, %sub3A_62 : vector<4x8192xf32>
      %add3A = arith.addf %integer_pow3A, %integer_pow3A_63 : vector<4x8192xf32>
      %sub3A_64 = vector.broadcast %broadcast_in_dim3A_48 : vector<4x1xf32> to vector<4x8192xf32>
      %sub3A_65 = arith.subf %get3A_7, %sub3A_64 : vector<4x8192xf32>
      %integer_pow3A_66 = arith.mulf %sub3A_65, %sub3A_65 : vector<4x8192xf32>
      %add3A_67 = arith.addf %add3A, %integer_pow3A_66 : vector<4x8192xf32>
      %min3A = arith.minimumf %scan3A_28, %add3A_67 : vector<4x8192xf32>
      %reduce_max3A = arith.constant dense<0xFF800000> : vector<4xf32>
      %reduce_max3A_68 = vector.multi_reduction <maximumf>, %min3A, %reduce_max3A [1] : vector<4x8192xf32> to vector<4xf32>
      %broadcast_in_dim3A_69 = vector.shape_cast %reduce_max3A_68 : vector<4xf32> to vector<4x1xf32>
      %eq3A_70 = vector.broadcast %broadcast_in_dim3A_69 : vector<4x1xf32> to vector<4x8192xf32>
      %eq3A_71 = arith.cmpf oeq, %min3A, %eq3A_70 : vector<4x8192xf32>
      %jit3A_72 = arith.constant 3.000000e+04 : f32
      %broadcast_in_dim3A_73 = vector.broadcast %jit3A_72 : f32 to vector<4x8192xf32>
      %select_n3A_74 = arith.select %eq3A_71, %convert_element_type3A, %broadcast_in_dim3A_73 : vector<4x8192xi1>, vector<4x8192xf32>
      %reduce_min3A = arith.constant dense<0x7F800000> : vector<4xf32>
      %reduce_min3A_75 = vector.multi_reduction <minimumf>, %select_n3A_74, %reduce_min3A [1] : vector<4x8192xf32> to vector<4xf32>
      %broadcast_in_dim3A_76 = vector.shape_cast %reduce_min3A_75 : vector<4xf32> to vector<4x1xf32>
      scf.yield %min3A, %broadcast_in_dim3A_76, %select_n3A_53, %select_n3A_56, %select_n3A_59 : vector<4x8192xf32>, vector<4x1xf32>, vector<4x512xf32>, vector<4x512xf32>, vector<4x512xf32>
    }
    %scan3A_18 = arith.constant 512 : i32
    %swap3A = arith.constant 0 : index
    %swap3A_19 = arith.constant 0 : index
    %swap3A_20 = vector.load %arg3[%swap3A, %swap3A_19] : memref<4x512xf32, #tpu.memory_space<vmem>>, vector<4x512xf32>
    tpu.vector_store %arg3[%swap3A, %swap3A_19], %scan3A_17#2 {strides = array<i32>} : memref<4x512xf32, #tpu.memory_space<vmem>>, vector<4x512xf32>,
    %swap3A_21 = arith.constant 0 : index
    %swap3A_22 = arith.constant 0 : index
    %swap3A_23 = vector.load %arg4[%swap3A_21, %swap3A_22] : memref<4x512xf32, #tpu.memory_space<vmem>>, vector<4x512xf32>
    tpu.vector_store %arg4[%swap3A_21, %swap3A_22], %scan3A_17#3 {strides = array<i32>} : memref<4x512xf32, #tpu.memory_space<vmem>>, vector<4x512xf32>,
    %swap3A_24 = arith.constant 0 : index
    %swap3A_25 = arith.constant 0 : index
    %swap3A_26 = vector.load %arg5[%swap3A_24, %swap3A_25] : memref<4x512xf32, #tpu.memory_space<vmem>>, vector<4x512xf32>
    tpu.vector_store %arg5[%swap3A_24, %swap3A_25], %scan3A_17#4 {strides = array<i32>} : memref<4x512xf32, #tpu.memory_space<vmem>>, vector<4x512xf32>,
    return
  }
}

module attributes {stable_mosaic.version = 14 : i64} {
  func.func @_ballq_body(%arg0: i32, %arg1: i32, %arg2: memref<1x1x8192xf32, #tpu.memory_space<vmem>>, %arg3: memref<1x1x8192xf32, #tpu.memory_space<vmem>>, %arg4: memref<1x1x8192xf32, #tpu.memory_space<vmem>>, %arg5: memref<128x1xf32, #tpu.memory_space<vmem>>, %arg6: memref<128x1xf32, #tpu.memory_space<vmem>>, %arg7: memref<128x1xf32, #tpu.memory_space<vmem>>, %arg8: memref<128x16xi32, #tpu.memory_space<vmem>>, %arg9: memref<128x32xi32, #tpu.memory_space<vmem>>, %arg10: memref<128x64xi32, #tpu.memory_space<vmem>>) attributes {dimension_semantics = [#tpu.dimension_semantics<arbitrary>, #tpu.dimension_semantics<arbitrary>], iteration_bounds = array<i64: 4, 4>, scalar_prefetch = 0 : i64, scratch_operands = 0 : i64, tpu.core_type = #tpu.core_type<tc>, window_params = [{transform_indices = @transform_0, window_bounds = array<i64: 1, 1, 8192>}, {transform_indices = @transform_1, window_bounds = array<i64: 1, 1, 8192>}, {transform_indices = @transform_2, window_bounds = array<i64: 1, 1, 8192>}, {transform_indices = @transform_3, window_bounds = array<i64: 128, 1>}, {transform_indices = @transform_4, window_bounds = array<i64: 128, 1>}, {transform_indices = @transform_5, window_bounds = array<i64: 128, 1>}, {transform_indices = @transform_6, window_bounds = array<i64: 128, 16>}, {transform_indices = @transform_7, window_bounds = array<i64: 128, 32>}, {transform_indices = @transform_8, window_bounds = array<i64: 128, 64>}]} {
    %get3A = arith.constant 0 : index
    %get3A_0 = arith.constant 0 : index
    %get3A_1 = arith.constant 0 : index
    %get3A_2 = vector.load %arg2[%get3A, %get3A_0, %get3A_1] : memref<1x1x8192xf32, #tpu.memory_space<vmem>>, vector<1x1x8192xf32>
    %get3A_3 = vector.shape_cast %get3A_2 : vector<1x1x8192xf32> to vector<1x8192xf32>
    %get3A_4 = arith.constant 0 : index
    %get3A_5 = arith.constant 0 : index
    %get3A_6 = arith.constant 0 : index
    %get3A_7 = vector.load %arg3[%get3A_4, %get3A_5, %get3A_6] : memref<1x1x8192xf32, #tpu.memory_space<vmem>>, vector<1x1x8192xf32>
    %get3A_8 = vector.shape_cast %get3A_7 : vector<1x1x8192xf32> to vector<1x8192xf32>
    %get3A_9 = arith.constant 0 : index
    %get3A_10 = arith.constant 0 : index
    %get3A_11 = arith.constant 0 : index
    %get3A_12 = vector.load %arg4[%get3A_9, %get3A_10, %get3A_11] : memref<1x1x8192xf32, #tpu.memory_space<vmem>>, vector<1x1x8192xf32>
    %get3A_13 = vector.shape_cast %get3A_12 : vector<1x1x8192xf32> to vector<1x8192xf32>
    %get3A_14 = arith.constant 0 : index
    %get3A_15 = arith.constant 0 : index
    %get3A_16 = vector.load %arg5[%get3A_14, %get3A_15] : memref<128x1xf32, #tpu.memory_space<vmem>>, vector<128x1xf32>
    %get3A_17 = arith.constant 0 : index
    %get3A_18 = arith.constant 0 : index
    %get3A_19 = vector.load %arg6[%get3A_17, %get3A_18] : memref<128x1xf32, #tpu.memory_space<vmem>>, vector<128x1xf32>
    %get3A_20 = arith.constant 0 : index
    %get3A_21 = arith.constant 0 : index
    %get3A_22 = vector.load %arg7[%get3A_20, %get3A_21] : memref<128x1xf32, #tpu.memory_space<vmem>>, vector<128x1xf32>
    %sub3A = vector.broadcast %get3A_16 : vector<128x1xf32> to vector<128x8192xf32>
    %sub3A_23 = vector.broadcast %get3A_3 : vector<1x8192xf32> to vector<128x8192xf32>
    %sub3A_24 = arith.subf %sub3A, %sub3A_23 : vector<128x8192xf32>
    %integer_pow3A = arith.mulf %sub3A_24, %sub3A_24 : vector<128x8192xf32>
    %sub3A_25 = vector.broadcast %get3A_19 : vector<128x1xf32> to vector<128x8192xf32>
    %sub3A_26 = vector.broadcast %get3A_8 : vector<1x8192xf32> to vector<128x8192xf32>
    %sub3A_27 = arith.subf %sub3A_25, %sub3A_26 : vector<128x8192xf32>
    %integer_pow3A_28 = arith.mulf %sub3A_27, %sub3A_27 : vector<128x8192xf32>
    %add3A = arith.addf %integer_pow3A, %integer_pow3A_28 : vector<128x8192xf32>
    %sub3A_29 = vector.broadcast %get3A_22 : vector<128x1xf32> to vector<128x8192xf32>
    %sub3A_30 = vector.broadcast %get3A_13 : vector<1x8192xf32> to vector<128x8192xf32>
    %sub3A_31 = arith.subf %sub3A_29, %sub3A_30 : vector<128x8192xf32>
    %integer_pow3A_32 = arith.mulf %sub3A_31, %sub3A_31 : vector<128x8192xf32>
    %add3A_33 = arith.addf %add3A, %integer_pow3A_32 : vector<128x8192xf32>
    %iota3A = tpu.iota {dimensions = array<i32: 1>} : vector<128x8192xi32>
    %convert_element_type3A = arith.sitofp %iota3A : vector<128x8192xi32> to vector<128x8192xf32>
    %iota3A_34 = tpu.iota {dimensions = array<i32: 1>} : vector<128x16xi32>
    %lt3A = arith.constant 0.00999999977 : f32
    %lt3A_35 = vector.broadcast %lt3A : f32 to vector<128x8192xf32>
    %lt3A_36 = arith.cmpf olt, %add3A_33, %lt3A_35 : vector<128x8192xf32>
    %jit3A = arith.constant 8.192000e+03 : f32
    %broadcast_in_dim3A = vector.broadcast %jit3A : f32 to vector<128x8192xf32>
    %select_n3A = arith.select %lt3A_36, %convert_element_type3A, %broadcast_in_dim3A : vector<128x8192xi1>, vector<128x8192xf32>
    %broadcast_in_dim3A_37 = arith.constant 0.000000e+00 : f32
    %broadcast_in_dim3A_38 = vector.broadcast %broadcast_in_dim3A_37 : f32 to vector<128x16xf32>
    %scan3A = arith.constant 0 : i32
    %scan3A_39 = arith.constant 16 : i32
    %scan3A_40 = arith.addi %scan3A, %scan3A_39 : i32
    %scan3A_41 = arith.constant 1 : i32
    %scan3A_42:2 = scf.for %scan3A_133 = %scan3A to %scan3A_40 step %scan3A_41 iter_args(%scan3A_134 = %select_n3A, %scan3A_135 = %broadcast_in_dim3A_38) -> (vector<128x8192xf32>, vector<128x16xf32>)  : i32 {
      %reduce_min3A = arith.constant dense<0x7F800000> : vector<128xf32>
      %reduce_min3A_136 = vector.multi_reduction <minimumf>, %scan3A_134, %reduce_min3A [1] : vector<128x8192xf32> to vector<128xf32>
      %broadcast_in_dim3A_137 = vector.shape_cast %reduce_min3A_136 : vector<128xf32> to vector<128x1xf32>
      %eq3A = vector.broadcast %scan3A_133 : i32 to vector<128x16xi32>
      %eq3A_138 = arith.cmpi eq, %iota3A_34, %eq3A : vector<128x16xi32>
      %broadcast_in_dim3A_139 = vector.shape_cast %broadcast_in_dim3A_137 : vector<128x1xf32> to vector<128x1xf32>
      %broadcast_in_dim3A_140 = vector.broadcast %broadcast_in_dim3A_139 : vector<128x1xf32> to vector<128x16xf32>
      %select_n3A_141 = arith.select %eq3A_138, %broadcast_in_dim3A_140, %scan3A_135 : vector<128x16xi1>, vector<128x16xf32>
      %eq3A_142 = vector.broadcast %broadcast_in_dim3A_137 : vector<128x1xf32> to vector<128x8192xf32>
      %eq3A_143 = arith.cmpf oeq, %scan3A_134, %eq3A_142 : vector<128x8192xf32>
      %jit3A_144 = arith.constant 3.000000e+04 : f32
      %broadcast_in_dim3A_145 = vector.broadcast %jit3A_144 : f32 to vector<128x8192xf32>
      %select_n3A_146 = arith.select %eq3A_143, %broadcast_in_dim3A_145, %scan3A_134 : vector<128x8192xi1>, vector<128x8192xf32>
      scf.yield %select_n3A_146, %select_n3A_141 : vector<128x8192xf32>, vector<128x16xf32>
    }
    %scan3A_43 = arith.constant 16 : i32
    %slice3A = vector.extract_strided_slice %scan3A_42#1 {offsets = [0, 0], sizes = [128, 1], strides = [1, 1]} : vector<128x16xf32> to vector<128x1xf32>
    %ge3A = arith.constant 8.192000e+03 : f32
    %ge3A_44 = vector.broadcast %ge3A : f32 to vector<128x1xf32>
    %ge3A_45 = arith.cmpf oge, %slice3A, %ge3A_44 : vector<128x1xf32>
    %jit3A_46 = arith.constant 0.000000e+00 : f32
    %broadcast_in_dim3A_47 = vector.broadcast %jit3A_46 : f32 to vector<128x1xf32>
    %select_n3A_48 = arith.select %ge3A_45, %broadcast_in_dim3A_47, %slice3A : vector<128x1xi1>, vector<128x1xf32>
    %ge3A_49 = arith.constant 8.192000e+03 : f32
    %ge3A_50 = vector.broadcast %ge3A_49 : f32 to vector<128x16xf32>
    %ge3A_51 = arith.cmpf oge, %scan3A_42#1, %ge3A_50 : vector<128x16xf32>
    %broadcast_in_dim3A_52 = vector.shape_cast %select_n3A_48 : vector<128x1xf32> to vector<128x1xf32>
    %broadcast_in_dim3A_53 = vector.broadcast %broadcast_in_dim3A_52 : vector<128x1xf32> to vector<128x16xf32>
    %select_n3A_54 = arith.select %ge3A_51, %broadcast_in_dim3A_53, %scan3A_42#1 : vector<128x16xi1>, vector<128x16xf32>
    %convert_element_type3A_55 = arith.fptosi %select_n3A_54 : vector<128x16xf32> to vector<128x16xi32>
    %mul3A = arith.constant 8192 : i32
    %mul3A_56 = arith.muli %arg0, %mul3A : i32
    %add3A_57 = vector.broadcast %mul3A_56 : i32 to vector<128x16xi32>
    %add3A_58 = arith.addi %convert_element_type3A_55, %add3A_57 : vector<128x16xi32>
    %swap3A = arith.constant 0 : index
    %swap3A_59 = arith.constant 0 : index
    %swap3A_60 = vector.load %arg8[%swap3A, %swap3A_59] : memref<128x16xi32, #tpu.memory_space<vmem>>, vector<128x16xi32>
    tpu.vector_store %arg8[%swap3A, %swap3A_59], %add3A_58 {strides = array<i32>} : memref<128x16xi32, #tpu.memory_space<vmem>>, vector<128x16xi32>,
    %iota3A_61 = tpu.iota {dimensions = array<i32: 1>} : vector<128x32xi32>
    %lt3A_62 = arith.constant 4.000000e-02 : f32
    %lt3A_63 = vector.broadcast %lt3A_62 : f32 to vector<128x8192xf32>
    %lt3A_64 = arith.cmpf olt, %add3A_33, %lt3A_63 : vector<128x8192xf32>
    %jit3A_65 = arith.constant 8.192000e+03 : f32
    %broadcast_in_dim3A_66 = vector.broadcast %jit3A_65 : f32 to vector<128x8192xf32>
    %select_n3A_67 = arith.select %lt3A_64, %convert_element_type3A, %broadcast_in_dim3A_66 : vector<128x8192xi1>, vector<128x8192xf32>
    %broadcast_in_dim3A_68 = arith.constant 0.000000e+00 : f32
    %broadcast_in_dim3A_69 = vector.broadcast %broadcast_in_dim3A_68 : f32 to vector<128x32xf32>
    %scan3A_70 = arith.constant 0 : i32
    %scan3A_71 = arith.constant 32 : i32
    %scan3A_72 = arith.addi %scan3A_70, %scan3A_71 : i32
    %scan3A_73 = arith.constant 1 : i32
    %scan3A_74:2 = scf.for %scan3A_133 = %scan3A_70 to %scan3A_72 step %scan3A_73 iter_args(%scan3A_134 = %select_n3A_67, %scan3A_135 = %broadcast_in_dim3A_69) -> (vector<128x8192xf32>, vector<128x32xf32>)  : i32 {
      %reduce_min3A = arith.constant dense<0x7F800000> : vector<128xf32>
      %reduce_min3A_136 = vector.multi_reduction <minimumf>, %scan3A_134, %reduce_min3A [1] : vector<128x8192xf32> to vector<128xf32>
      %broadcast_in_dim3A_137 = vector.shape_cast %reduce_min3A_136 : vector<128xf32> to vector<128x1xf32>
      %eq3A = vector.broadcast %scan3A_133 : i32 to vector<128x32xi32>
      %eq3A_138 = arith.cmpi eq, %iota3A_61, %eq3A : vector<128x32xi32>
      %broadcast_in_dim3A_139 = vector.shape_cast %broadcast_in_dim3A_137 : vector<128x1xf32> to vector<128x1xf32>
      %broadcast_in_dim3A_140 = vector.broadcast %broadcast_in_dim3A_139 : vector<128x1xf32> to vector<128x32xf32>
      %select_n3A_141 = arith.select %eq3A_138, %broadcast_in_dim3A_140, %scan3A_135 : vector<128x32xi1>, vector<128x32xf32>
      %eq3A_142 = vector.broadcast %broadcast_in_dim3A_137 : vector<128x1xf32> to vector<128x8192xf32>
      %eq3A_143 = arith.cmpf oeq, %scan3A_134, %eq3A_142 : vector<128x8192xf32>
      %jit3A_144 = arith.constant 3.000000e+04 : f32
      %broadcast_in_dim3A_145 = vector.broadcast %jit3A_144 : f32 to vector<128x8192xf32>
      %select_n3A_146 = arith.select %eq3A_143, %broadcast_in_dim3A_145, %scan3A_134 : vector<128x8192xi1>, vector<128x8192xf32>
      scf.yield %select_n3A_146, %select_n3A_141 : vector<128x8192xf32>, vector<128x32xf32>
    }
    %scan3A_75 = arith.constant 32 : i32
    %slice3A_76 = vector.extract_strided_slice %scan3A_74#1 {offsets = [0, 0], sizes = [128, 1], strides = [1, 1]} : vector<128x32xf32> to vector<128x1xf32>
    %ge3A_77 = arith.constant 8.192000e+03 : f32
    %ge3A_78 = vector.broadcast %ge3A_77 : f32 to vector<128x1xf32>
    %ge3A_79 = arith.cmpf oge, %slice3A_76, %ge3A_78 : vector<128x1xf32>
    %jit3A_80 = arith.constant 0.000000e+00 : f32
    %broadcast_in_dim3A_81 = vector.broadcast %jit3A_80 : f32 to vector<128x1xf32>
    %select_n3A_82 = arith.select %ge3A_79, %broadcast_in_dim3A_81, %slice3A_76 : vector<128x1xi1>, vector<128x1xf32>
    %ge3A_83 = arith.constant 8.192000e+03 : f32
    %ge3A_84 = vector.broadcast %ge3A_83 : f32 to vector<128x32xf32>
    %ge3A_85 = arith.cmpf oge, %scan3A_74#1, %ge3A_84 : vector<128x32xf32>
    %broadcast_in_dim3A_86 = vector.shape_cast %select_n3A_82 : vector<128x1xf32> to vector<128x1xf32>
    %broadcast_in_dim3A_87 = vector.broadcast %broadcast_in_dim3A_86 : vector<128x1xf32> to vector<128x32xf32>
    %select_n3A_88 = arith.select %ge3A_85, %broadcast_in_dim3A_87, %scan3A_74#1 : vector<128x32xi1>, vector<128x32xf32>
    %convert_element_type3A_89 = arith.fptosi %select_n3A_88 : vector<128x32xf32> to vector<128x32xi32>
    %mul3A_90 = arith.constant 8192 : i32
    %mul3A_91 = arith.muli %arg0, %mul3A_90 : i32
    %add3A_92 = vector.broadcast %mul3A_91 : i32 to vector<128x32xi32>
    %add3A_93 = arith.addi %convert_element_type3A_89, %add3A_92 : vector<128x32xi32>
    %swap3A_94 = arith.constant 0 : index
    %swap3A_95 = arith.constant 0 : index
    %swap3A_96 = vector.load %arg9[%swap3A_94, %swap3A_95] : memref<128x32xi32, #tpu.memory_space<vmem>>, vector<128x32xi32>
    tpu.vector_store %arg9[%swap3A_94, %swap3A_95], %add3A_93 {strides = array<i32>} : memref<128x32xi32, #tpu.memory_space<vmem>>, vector<128x32xi32>,
    %iota3A_97 = tpu.iota {dimensions = array<i32: 1>} : vector<128x64xi32>
    %lt3A_98 = arith.constant 1.600000e-01 : f32
    %lt3A_99 = vector.broadcast %lt3A_98 : f32 to vector<128x8192xf32>
    %lt3A_100 = arith.cmpf olt, %add3A_33, %lt3A_99 : vector<128x8192xf32>
    %jit3A_101 = arith.constant 8.192000e+03 : f32
    %broadcast_in_dim3A_102 = vector.broadcast %jit3A_101 : f32 to vector<128x8192xf32>
    %select_n3A_103 = arith.select %lt3A_100, %convert_element_type3A, %broadcast_in_dim3A_102 : vector<128x8192xi1>, vector<128x8192xf32>
    %broadcast_in_dim3A_104 = arith.constant 0.000000e+00 : f32
    %broadcast_in_dim3A_105 = vector.broadcast %broadcast_in_dim3A_104 : f32 to vector<128x64xf32>
    %scan3A_106 = arith.constant 0 : i32
    %scan3A_107 = arith.constant 64 : i32
    %scan3A_108 = arith.addi %scan3A_106, %scan3A_107 : i32
    %scan3A_109 = arith.constant 1 : i32
    %scan3A_110:2 = scf.for %scan3A_133 = %scan3A_106 to %scan3A_108 step %scan3A_109 iter_args(%scan3A_134 = %select_n3A_103, %scan3A_135 = %broadcast_in_dim3A_105) -> (vector<128x8192xf32>, vector<128x64xf32>)  : i32 {
      %reduce_min3A = arith.constant dense<0x7F800000> : vector<128xf32>
      %reduce_min3A_136 = vector.multi_reduction <minimumf>, %scan3A_134, %reduce_min3A [1] : vector<128x8192xf32> to vector<128xf32>
      %broadcast_in_dim3A_137 = vector.shape_cast %reduce_min3A_136 : vector<128xf32> to vector<128x1xf32>
      %eq3A = vector.broadcast %scan3A_133 : i32 to vector<128x64xi32>
      %eq3A_138 = arith.cmpi eq, %iota3A_97, %eq3A : vector<128x64xi32>
      %broadcast_in_dim3A_139 = vector.shape_cast %broadcast_in_dim3A_137 : vector<128x1xf32> to vector<128x1xf32>
      %broadcast_in_dim3A_140 = vector.broadcast %broadcast_in_dim3A_139 : vector<128x1xf32> to vector<128x64xf32>
      %select_n3A_141 = arith.select %eq3A_138, %broadcast_in_dim3A_140, %scan3A_135 : vector<128x64xi1>, vector<128x64xf32>
      %eq3A_142 = vector.broadcast %broadcast_in_dim3A_137 : vector<128x1xf32> to vector<128x8192xf32>
      %eq3A_143 = arith.cmpf oeq, %scan3A_134, %eq3A_142 : vector<128x8192xf32>
      %jit3A_144 = arith.constant 3.000000e+04 : f32
      %broadcast_in_dim3A_145 = vector.broadcast %jit3A_144 : f32 to vector<128x8192xf32>
      %select_n3A_146 = arith.select %eq3A_143, %broadcast_in_dim3A_145, %scan3A_134 : vector<128x8192xi1>, vector<128x8192xf32>
      scf.yield %select_n3A_146, %select_n3A_141 : vector<128x8192xf32>, vector<128x64xf32>
    }
    %scan3A_111 = arith.constant 64 : i32
    %slice3A_112 = vector.extract_strided_slice %scan3A_110#1 {offsets = [0, 0], sizes = [128, 1], strides = [1, 1]} : vector<128x64xf32> to vector<128x1xf32>
    %ge3A_113 = arith.constant 8.192000e+03 : f32
    %ge3A_114 = vector.broadcast %ge3A_113 : f32 to vector<128x1xf32>
    %ge3A_115 = arith.cmpf oge, %slice3A_112, %ge3A_114 : vector<128x1xf32>
    %jit3A_116 = arith.constant 0.000000e+00 : f32
    %broadcast_in_dim3A_117 = vector.broadcast %jit3A_116 : f32 to vector<128x1xf32>
    %select_n3A_118 = arith.select %ge3A_115, %broadcast_in_dim3A_117, %slice3A_112 : vector<128x1xi1>, vector<128x1xf32>
    %ge3A_119 = arith.constant 8.192000e+03 : f32
    %ge3A_120 = vector.broadcast %ge3A_119 : f32 to vector<128x64xf32>
    %ge3A_121 = arith.cmpf oge, %scan3A_110#1, %ge3A_120 : vector<128x64xf32>
    %broadcast_in_dim3A_122 = vector.shape_cast %select_n3A_118 : vector<128x1xf32> to vector<128x1xf32>
    %broadcast_in_dim3A_123 = vector.broadcast %broadcast_in_dim3A_122 : vector<128x1xf32> to vector<128x64xf32>
    %select_n3A_124 = arith.select %ge3A_121, %broadcast_in_dim3A_123, %scan3A_110#1 : vector<128x64xi1>, vector<128x64xf32>
    %convert_element_type3A_125 = arith.fptosi %select_n3A_124 : vector<128x64xf32> to vector<128x64xi32>
    %mul3A_126 = arith.constant 8192 : i32
    %mul3A_127 = arith.muli %arg0, %mul3A_126 : i32
    %add3A_128 = vector.broadcast %mul3A_127 : i32 to vector<128x64xi32>
    %add3A_129 = arith.addi %convert_element_type3A_125, %add3A_128 : vector<128x64xi32>
    %swap3A_130 = arith.constant 0 : index
    %swap3A_131 = arith.constant 0 : index
    %swap3A_132 = vector.load %arg10[%swap3A_130, %swap3A_131] : memref<128x64xi32, #tpu.memory_space<vmem>>, vector<128x64xi32>
    tpu.vector_store %arg10[%swap3A_130, %swap3A_131], %add3A_129 {strides = array<i32>} : memref<128x64xi32, #tpu.memory_space<vmem>>, vector<128x64xi32>,
    return
  }
  func.func @transform_0(%arg0: i32, %arg1: i32) -> (i32, i32, i32) {
    %c0_i32 = arith.constant 0 : i32
    %c0_i32_0 = arith.constant 0 : i32
    %c0_i32_1 = arith.constant 0 : i32
    return %arg0, %c0_i32, %c0_i32_0 : i32, i32, i32
  }
  func.func @transform_1(%arg0: i32, %arg1: i32) -> (i32, i32, i32) {
    %c0_i32 = arith.constant 0 : i32
    %c0_i32_0 = arith.constant 0 : i32
    %c0_i32_1 = arith.constant 0 : i32
    return %arg0, %c0_i32, %c0_i32_0 : i32, i32, i32
  }
  func.func @transform_2(%arg0: i32, %arg1: i32) -> (i32, i32, i32) {
    %c0_i32 = arith.constant 0 : i32
    %c0_i32_0 = arith.constant 0 : i32
    %c0_i32_1 = arith.constant 0 : i32
    return %arg0, %c0_i32, %c0_i32_0 : i32, i32, i32
  }
  func.func @transform_3(%arg0: i32, %arg1: i32) -> (i32, i32) {
    %mul3A = arith.constant 4 : i32
    %mul3A_0 = arith.muli %arg0, %mul3A : i32
    %add3A = arith.addi %mul3A_0, %arg1 : i32
    %c0_i32 = arith.constant 0 : i32
    %c0_i32_1 = arith.constant 0 : i32
    return %add3A, %c0_i32 : i32, i32
  }
  func.func @transform_4(%arg0: i32, %arg1: i32) -> (i32, i32) {
    %mul3A = arith.constant 4 : i32
    %mul3A_0 = arith.muli %arg0, %mul3A : i32
    %add3A = arith.addi %mul3A_0, %arg1 : i32
    %c0_i32 = arith.constant 0 : i32
    %c0_i32_1 = arith.constant 0 : i32
    return %add3A, %c0_i32 : i32, i32
  }
  func.func @transform_5(%arg0: i32, %arg1: i32) -> (i32, i32) {
    %mul3A = arith.constant 4 : i32
    %mul3A_0 = arith.muli %arg0, %mul3A : i32
    %add3A = arith.addi %mul3A_0, %arg1 : i32
    %c0_i32 = arith.constant 0 : i32
    %c0_i32_1 = arith.constant 0 : i32
    return %add3A, %c0_i32 : i32, i32
  }
  func.func @transform_6(%arg0: i32, %arg1: i32) -> (i32, i32) {
    %mul3A = arith.constant 4 : i32
    %mul3A_0 = arith.muli %arg0, %mul3A : i32
    %add3A = arith.addi %mul3A_0, %arg1 : i32
    %c0_i32 = arith.constant 0 : i32
    %c0_i32_1 = arith.constant 0 : i32
    return %add3A, %c0_i32 : i32, i32
  }
  func.func @transform_7(%arg0: i32, %arg1: i32) -> (i32, i32) {
    %mul3A = arith.constant 4 : i32
    %mul3A_0 = arith.muli %arg0, %mul3A : i32
    %add3A = arith.addi %mul3A_0, %arg1 : i32
    %c0_i32 = arith.constant 0 : i32
    %c0_i32_1 = arith.constant 0 : i32
    return %add3A, %c0_i32 : i32, i32
  }
  func.func @transform_8(%arg0: i32, %arg1: i32) -> (i32, i32) {
    %mul3A = arith.constant 4 : i32
    %mul3A_0 = arith.muli %arg0, %mul3A : i32
    %add3A = arith.addi %mul3A_0, %arg1 : i32
    %c0_i32 = arith.constant 0 : i32
    %c0_i32_1 = arith.constant 0 : i32
    return %add3A, %c0_i32 : i32, i32
  }
}

module attributes {stable_mosaic.version = 14 : i64} {
  func.func @_m1_body(%arg0: i32, %arg1: memref<1024x128xf32, #tpu.memory_space<vmem>>, %arg2: memref<1024x128xf32, #tpu.memory_space<vmem>>, %arg3: memref<128x32xf32, #tpu.memory_space<vmem>>, %arg4: memref<1024x32xf32, #tpu.memory_space<vmem>>, %arg5: memref<8x32xf32, #tpu.memory_space<vmem>>) attributes {dimension_semantics = [#tpu.dimension_semantics<arbitrary>], iteration_bounds = array<i64: 32>, scalar_prefetch = 0 : i64, scratch_operands = 0 : i64, tpu.core_type = #tpu.core_type<tc>, window_params = [{transform_indices = @transform_0, window_bounds = array<i64: 1024, 128>}, {transform_indices = @transform_1, window_bounds = array<i64: 1024, 128>}, {pipeline_mode = #tpu.pipeline_mode<synchronous>, transform_indices = @transform_2, window_bounds = array<i64: 128, 32>}, {transform_indices = @transform_3, window_bounds = array<i64: 1024, 32>}, {pipeline_mode = #tpu.pipeline_mode<synchronous>, transform_indices = @transform_4, window_bounds = array<i64: 8, 32>}]} {
    %get3A = arith.constant 0 : index
    %get3A_0 = arith.constant 0 : index
    %get3A_1 = vector.load %arg1[%get3A, %get3A_0] : memref<1024x128xf32, #tpu.memory_space<vmem>>, vector<1024x128xf32>
    %get3A_2 = arith.constant 0 : index
    %get3A_3 = arith.constant 0 : index
    %get3A_4 = vector.load %arg2[%get3A_2, %get3A_3] : memref<1024x128xf32, #tpu.memory_space<vmem>>, vector<1024x128xf32>
    %sub3A = arith.subf %get3A_1, %get3A_4 : vector<1024x128xf32>
    %get3A_5 = arith.constant 0 : index
    %get3A_6 = arith.constant 0 : index
    %get3A_7 = vector.load %arg3[%get3A_5, %get3A_6] : memref<128x32xf32, #tpu.memory_space<vmem>>, vector<128x32xf32>
    %dot_general3A = arith.constant dense<0.000000e+00> : vector<1024x32xf32>
    %dot_general3A_8 = tpu.matmul %sub3A, %get3A_7, %dot_general3A {dimension_numbers = #tpu.dot_dimension_numbers<[1], [0], [0], [1], [0, 0, 1, 1], [], []>, transpose_lhs_hint = false} : vector<1024x128xf32>, vector<128x32xf32>, vector<1024x32xf32> -> vector<1024x32xf32>
    %swap3A = arith.constant 0 : index
    %swap3A_9 = arith.constant 0 : index
    %swap3A_10 = vector.load %arg4[%swap3A, %swap3A_9] : memref<1024x32xf32, #tpu.memory_space<vmem>>, vector<1024x32xf32>
    tpu.vector_store %arg4[%swap3A, %swap3A_9], %dot_general3A_8 {strides = array<i32>} : memref<1024x32xf32, #tpu.memory_space<vmem>>, vector<1024x32xf32>,
    %eq3A = arith.constant 0 : i32
    %eq3A_11 = arith.cmpi eq, %arg0, %eq3A : i32
    %convert_element_type3A = arith.extui %eq3A_11 : i1 to i32
    %cond3A = arith.constant 0 : i32
    %cond3A_12 = arith.cmpi ne, %convert_element_type3A, %cond3A : i32
    scf.if %cond3A_12 {
      %broadcast_in_dim3A_25 = arith.constant 0.000000e+00 : f32
      %broadcast_in_dim3A_26 = vector.broadcast %broadcast_in_dim3A_25 : f32 to vector<8x32xf32>
      %swap3A_27 = arith.constant 0 : index
      %swap3A_28 = arith.constant 0 : index
      %swap3A_29 = vector.load %arg5[%swap3A_27, %swap3A_28] : memref<8x32xf32, #tpu.memory_space<vmem>>, vector<8x32xf32>
      tpu.vector_store %arg5[%swap3A_27, %swap3A_28], %broadcast_in_dim3A_26 {strides = array<i32>} : memref<8x32xf32, #tpu.memory_space<vmem>>, vector<8x32xf32>,
    } else {
    }
    %reduce_sum3A = arith.constant dense<0.000000e+00> : vector<32xf32>
    %reduce_sum3A_13 = vector.multi_reduction <add>, %dot_general3A_8, %reduce_sum3A [0] : vector<1024x32xf32> to vector<32xf32>
    %broadcast_in_dim3A = vector.shape_cast %reduce_sum3A_13 : vector<32xf32> to vector<1x32xf32>
    %mul3A = arith.mulf %dot_general3A_8, %dot_general3A_8 : vector<1024x32xf32>
    %reduce_sum3A_14 = arith.constant dense<0.000000e+00> : vector<32xf32>
    %reduce_sum3A_15 = vector.multi_reduction <add>, %mul3A, %reduce_sum3A_14 [0] : vector<1024x32xf32> to vector<32xf32>
    %broadcast_in_dim3A_16 = vector.shape_cast %reduce_sum3A_15 : vector<32xf32> to vector<1x32xf32>
    %get3A_17 = arith.constant 0 : index
    %get3A_18 = arith.constant 0 : index
    %get3A_19 = vector.load %arg5[%get3A_17, %get3A_18] : memref<8x32xf32, #tpu.memory_space<vmem>>, vector<8x32xf32>
    %broadcast_in_dim3A_20 = arith.constant 0.000000e+00 : f32
    %broadcast_in_dim3A_21 = vector.broadcast %broadcast_in_dim3A_20 : f32 to vector<6x32xf32>
    %concatenate3A = tpu.concatenate %broadcast_in_dim3A, %broadcast_in_dim3A_16, %broadcast_in_dim3A_21 in 0 : vector<1x32xf32>, vector<1x32xf32>, vector<6x32xf32> -> vector<8x32xf32>
    %add3A = arith.addf %get3A_19, %concatenate3A : vector<8x32xf32>
    %swap3A_22 = arith.constant 0 : index
    %swap3A_23 = arith.constant 0 : index
    %swap3A_24 = vector.load %arg5[%swap3A_22, %swap3A_23] : memref<8x32xf32, #tpu.memory_space<vmem>>, vector<8x32xf32>
    tpu.vector_store %arg5[%swap3A_22, %swap3A_23], %add3A {strides = array<i32>} : memref<8x32xf32, #tpu.memory_space<vmem>>, vector<8x32xf32>,
    return
  }
  func.func @transform_0(%arg0: i32) -> (i32, i32) {
    %c0_i32 = arith.constant 0 : i32
    %c0_i32_0 = arith.constant 0 : i32
    return %arg0, %c0_i32 : i32, i32
  }
  func.func @transform_1(%arg0: i32) -> (i32, i32) {
    %c0_i32 = arith.constant 0 : i32
    %c0_i32_0 = arith.constant 0 : i32
    return %arg0, %c0_i32 : i32, i32
  }
  func.func @transform_2(%arg0: i32) -> (i32, i32) {
    %c0_i32 = arith.constant 0 : i32
    %c0_i32_0 = arith.constant 0 : i32
    %c0_i32_1 = arith.constant 0 : i32
    return %c0_i32, %c0_i32_0 : i32, i32
  }
  func.func @transform_3(%arg0: i32) -> (i32, i32) {
    %c0_i32 = arith.constant 0 : i32
    %c0_i32_0 = arith.constant 0 : i32
    return %arg0, %c0_i32 : i32, i32
  }
  func.func @transform_4(%arg0: i32) -> (i32, i32) {
    %c0_i32 = arith.constant 0 : i32
    %c0_i32_0 = arith.constant 0 : i32
    %c0_i32_1 = arith.constant 0 : i32
    return %c0_i32, %c0_i32_0 : i32, i32
  }
}

module attributes {stable_mosaic.version = 14 : i64} {
  func.func @_mmid_body(%arg0: i32, %arg1: memref<1024x32xf32, #tpu.memory_space<vmem>>, %arg2: memref<8x32xf32, #tpu.memory_space<vmem>>, %arg3: memref<8x32xf32, #tpu.memory_space<vmem>>, %arg4: memref<32x32xf32, #tpu.memory_space<vmem>>, %arg5: memref<1024x32xf32, #tpu.memory_space<vmem>>, %arg6: memref<8x32xf32, #tpu.memory_space<vmem>>) attributes {dimension_semantics = [#tpu.dimension_semantics<arbitrary>], iteration_bounds = array<i64: 32>, scalar_prefetch = 0 : i64, scratch_operands = 0 : i64, tpu.core_type = #tpu.core_type<tc>, window_params = [{transform_indices = @transform_0, window_bounds = array<i64: 1024, 32>}, {pipeline_mode = #tpu.pipeline_mode<synchronous>, transform_indices = @transform_1, window_bounds = array<i64: 8, 32>}, {pipeline_mode = #tpu.pipeline_mode<synchronous>, transform_indices = @transform_2, window_bounds = array<i64: 8, 32>}, {pipeline_mode = #tpu.pipeline_mode<synchronous>, transform_indices = @transform_3, window_bounds = array<i64: 32, 32>}, {transform_indices = @transform_4, window_bounds = array<i64: 1024, 32>}, {pipeline_mode = #tpu.pipeline_mode<synchronous>, transform_indices = @transform_5, window_bounds = array<i64: 8, 32>}]} {
    %get3A = arith.constant 0 : index
    %get3A_0 = arith.constant 0 : index
    %get3A_1 = vector.load %arg2[%get3A, %get3A_0] : memref<8x32xf32, #tpu.memory_space<vmem>>, vector<8x32xf32>
    %get3A_2 = arith.constant 0 : index
    %get3A_3 = arith.constant 0 : index
    %get3A_4 = vector.load %arg3[%get3A_2, %get3A_3] : memref<8x32xf32, #tpu.memory_space<vmem>>, vector<8x32xf32>
    %slice3A = vector.extract_strided_slice %get3A_1 {offsets = [0, 0], sizes = [1, 32], strides = [1, 1]} : vector<8x32xf32> to vector<1x32xf32>
    %mul3A = arith.constant 3.05175781E-5 : f32
    %mul3A_5 = vector.broadcast %mul3A : f32 to vector<1x32xf32>
    %mul3A_6 = arith.mulf %slice3A, %mul3A_5 : vector<1x32xf32>
    %slice3A_7 = vector.extract_strided_slice %get3A_1 {offsets = [1, 0], sizes = [1, 32], strides = [1, 1]} : vector<8x32xf32> to vector<1x32xf32>
    %mul3A_8 = arith.constant 3.05175781E-5 : f32
    %mul3A_9 = vector.broadcast %mul3A_8 : f32 to vector<1x32xf32>
    %mul3A_10 = arith.mulf %slice3A_7, %mul3A_9 : vector<1x32xf32>
    %mul3A_11 = arith.mulf %mul3A_6, %mul3A_6 : vector<1x32xf32>
    %sub3A = arith.subf %mul3A_10, %mul3A_11 : vector<1x32xf32>
    %slice3A_12 = vector.extract_strided_slice %get3A_4 {offsets = [0, 0], sizes = [1, 32], strides = [1, 1]} : vector<8x32xf32> to vector<1x32xf32>
    %add3A = arith.constant 9.99999974E-6 : f32
    %add3A_13 = vector.broadcast %add3A : f32 to vector<1x32xf32>
    %add3A_14 = arith.addf %sub3A, %add3A_13 : vector<1x32xf32>
    %sqrt3A = math.sqrt %add3A_14 : vector<1x32xf32>
    %div3A = arith.divf %slice3A_12, %sqrt3A : vector<1x32xf32>
    %slice3A_15 = vector.extract_strided_slice %get3A_4 {offsets = [1, 0], sizes = [1, 32], strides = [1, 1]} : vector<8x32xf32> to vector<1x32xf32>
    %mul3A_16 = arith.mulf %mul3A_6, %div3A : vector<1x32xf32>
    %sub3A_17 = arith.subf %slice3A_15, %mul3A_16 : vector<1x32xf32>
    %get3A_18 = arith.constant 0 : index
    %get3A_19 = arith.constant 0 : index
    %get3A_20 = vector.load %arg1[%get3A_18, %get3A_19] : memref<1024x32xf32, #tpu.memory_space<vmem>>, vector<1024x32xf32>
    %mul3A_21 = vector.broadcast %div3A : vector<1x32xf32> to vector<1024x32xf32>
    %mul3A_22 = arith.mulf %get3A_20, %mul3A_21 : vector<1024x32xf32>
    %add3A_23 = vector.broadcast %sub3A_17 : vector<1x32xf32> to vector<1024x32xf32>
    %add3A_24 = arith.addf %mul3A_22, %add3A_23 : vector<1024x32xf32>
    %max3A = arith.constant 0.000000e+00 : f32
    %max3A_25 = vector.broadcast %max3A : f32 to vector<1024x32xf32>
    %max3A_26 = arith.maximumf %add3A_24, %max3A_25 : vector<1024x32xf32>
    %get3A_27 = arith.constant 0 : index
    %get3A_28 = arith.constant 0 : index
    %get3A_29 = vector.load %arg4[%get3A_27, %get3A_28] : memref<32x32xf32, #tpu.memory_space<vmem>>, vector<32x32xf32>
    %dot_general3A = arith.constant dense<0.000000e+00> : vector<1024x32xf32>
    %dot_general3A_30 = tpu.matmul %max3A_26, %get3A_29, %dot_general3A {dimension_numbers = #tpu.dot_dimension_numbers<[1], [0], [0], [1], [0, 0, 1, 1], [], []>, transpose_lhs_hint = false} : vector<1024x32xf32>, vector<32x32xf32>, vector<1024x32xf32> -> vector<1024x32xf32>
    %swap3A = arith.constant 0 : index
    %swap3A_31 = arith.constant 0 : index
    %swap3A_32 = vector.load %arg5[%swap3A, %swap3A_31] : memref<1024x32xf32, #tpu.memory_space<vmem>>, vector<1024x32xf32>
    tpu.vector_store %arg5[%swap3A, %swap3A_31], %dot_general3A_30 {strides = array<i32>} : memref<1024x32xf32, #tpu.memory_space<vmem>>, vector<1024x32xf32>,
    %eq3A = arith.constant 0 : i32
    %eq3A_33 = arith.cmpi eq, %arg0, %eq3A : i32
    %convert_element_type3A = arith.extui %eq3A_33 : i1 to i32
    %cond3A = arith.constant 0 : i32
    %cond3A_34 = arith.cmpi ne, %convert_element_type3A, %cond3A : i32
    scf.if %cond3A_34 {
      %broadcast_in_dim3A_49 = arith.constant 0.000000e+00 : f32
      %broadcast_in_dim3A_50 = vector.broadcast %broadcast_in_dim3A_49 : f32 to vector<8x32xf32>
      %swap3A_51 = arith.constant 0 : index
      %swap3A_52 = arith.constant 0 : index
      %swap3A_53 = vector.load %arg6[%swap3A_51, %swap3A_52] : memref<8x32xf32, #tpu.memory_space<vmem>>, vector<8x32xf32>
      tpu.vector_store %arg6[%swap3A_51, %swap3A_52], %broadcast_in_dim3A_50 {strides = array<i32>} : memref<8x32xf32, #tpu.memory_space<vmem>>, vector<8x32xf32>,
    } else {
    }
    %reduce_sum3A = arith.constant dense<0.000000e+00> : vector<32xf32>
    %reduce_sum3A_35 = vector.multi_reduction <add>, %dot_general3A_30, %reduce_sum3A [0] : vector<1024x32xf32> to vector<32xf32>
    %broadcast_in_dim3A = vector.shape_cast %reduce_sum3A_35 : vector<32xf32> to vector<1x32xf32>
    %mul3A_36 = arith.mulf %dot_general3A_30, %dot_general3A_30 : vector<1024x32xf32>
    %reduce_sum3A_37 = arith.constant dense<0.000000e+00> : vector<32xf32>
    %reduce_sum3A_38 = vector.multi_reduction <add>, %mul3A_36, %reduce_sum3A_37 [0] : vector<1024x32xf32> to vector<32xf32>
    %broadcast_in_dim3A_39 = vector.shape_cast %reduce_sum3A_38 : vector<32xf32> to vector<1x32xf32>
    %get3A_40 = arith.constant 0 : index
    %get3A_41 = arith.constant 0 : index
    %get3A_42 = vector.load %arg6[%get3A_40, %get3A_41] : memref<8x32xf32, #tpu.memory_space<vmem>>, vector<8x32xf32>
    %broadcast_in_dim3A_43 = arith.constant 0.000000e+00 : f32
    %broadcast_in_dim3A_44 = vector.broadcast %broadcast_in_dim3A_43 : f32 to vector<6x32xf32>
    %concatenate3A = tpu.concatenate %broadcast_in_dim3A, %broadcast_in_dim3A_39, %broadcast_in_dim3A_44 in 0 : vector<1x32xf32>, vector<1x32xf32>, vector<6x32xf32> -> vector<8x32xf32>
    %add3A_45 = arith.addf %get3A_42, %concatenate3A : vector<8x32xf32>
    %swap3A_46 = arith.constant 0 : index
    %swap3A_47 = arith.constant 0 : index
    %swap3A_48 = vector.load %arg6[%swap3A_46, %swap3A_47] : memref<8x32xf32, #tpu.memory_space<vmem>>, vector<8x32xf32>
    tpu.vector_store %arg6[%swap3A_46, %swap3A_47], %add3A_45 {strides = array<i32>} : memref<8x32xf32, #tpu.memory_space<vmem>>, vector<8x32xf32>,
    return
  }
  func.func @transform_0(%arg0: i32) -> (i32, i32) {
    %c0_i32 = arith.constant 0 : i32
    %c0_i32_0 = arith.constant 0 : i32
    return %arg0, %c0_i32 : i32, i32
  }
  func.func @transform_1(%arg0: i32) -> (i32, i32) {
    %c0_i32 = arith.constant 0 : i32
    %c0_i32_0 = arith.constant 0 : i32
    %c0_i32_1 = arith.constant 0 : i32
    return %c0_i32, %c0_i32_0 : i32, i32
  }
  func.func @transform_2(%arg0: i32) -> (i32, i32) {
    %c0_i32 = arith.constant 0 : i32
    %c0_i32_0 = arith.constant 0 : i32
    %c0_i32_1 = arith.constant 0 : i32
    return %c0_i32, %c0_i32_0 : i32, i32
  }
  func.func @transform_3(%arg0: i32) -> (i32, i32) {
    %c0_i32 = arith.constant 0 : i32
    %c0_i32_0 = arith.constant 0 : i32
    %c0_i32_1 = arith.constant 0 : i32
    return %c0_i32, %c0_i32_0 : i32, i32
  }
  func.func @transform_4(%arg0: i32) -> (i32, i32) {
    %c0_i32 = arith.constant 0 : i32
    %c0_i32_0 = arith.constant 0 : i32
    return %arg0, %c0_i32 : i32, i32
  }
  func.func @transform_5(%arg0: i32) -> (i32, i32) {
    %c0_i32 = arith.constant 0 : i32
    %c0_i32_0 = arith.constant 0 : i32
    %c0_i32_1 = arith.constant 0 : i32
    return %c0_i32, %c0_i32_0 : i32, i32
  }
}

module attributes {stable_mosaic.version = 14 : i64} {
  func.func @_mmid_body(%arg0: i32, %arg1: memref<1024x32xf32, #tpu.memory_space<vmem>>, %arg2: memref<8x32xf32, #tpu.memory_space<vmem>>, %arg3: memref<8x32xf32, #tpu.memory_space<vmem>>, %arg4: memref<32x64xf32, #tpu.memory_space<vmem>>, %arg5: memref<1024x64xf32, #tpu.memory_space<vmem>>, %arg6: memref<8x64xf32, #tpu.memory_space<vmem>>) attributes {dimension_semantics = [#tpu.dimension_semantics<arbitrary>], iteration_bounds = array<i64: 32>, scalar_prefetch = 0 : i64, scratch_operands = 0 : i64, tpu.core_type = #tpu.core_type<tc>, window_params = [{transform_indices = @transform_0, window_bounds = array<i64: 1024, 32>}, {pipeline_mode = #tpu.pipeline_mode<synchronous>, transform_indices = @transform_1, window_bounds = array<i64: 8, 32>}, {pipeline_mode = #tpu.pipeline_mode<synchronous>, transform_indices = @transform_2, window_bounds = array<i64: 8, 32>}, {pipeline_mode = #tpu.pipeline_mode<synchronous>, transform_indices = @transform_3, window_bounds = array<i64: 32, 64>}, {transform_indices = @transform_4, window_bounds = array<i64: 1024, 64>}, {pipeline_mode = #tpu.pipeline_mode<synchronous>, transform_indices = @transform_5, window_bounds = array<i64: 8, 64>}]} {
    %get3A = arith.constant 0 : index
    %get3A_0 = arith.constant 0 : index
    %get3A_1 = vector.load %arg2[%get3A, %get3A_0] : memref<8x32xf32, #tpu.memory_space<vmem>>, vector<8x32xf32>
    %get3A_2 = arith.constant 0 : index
    %get3A_3 = arith.constant 0 : index
    %get3A_4 = vector.load %arg3[%get3A_2, %get3A_3] : memref<8x32xf32, #tpu.memory_space<vmem>>, vector<8x32xf32>
    %slice3A = vector.extract_strided_slice %get3A_1 {offsets = [0, 0], sizes = [1, 32], strides = [1, 1]} : vector<8x32xf32> to vector<1x32xf32>
    %mul3A = arith.constant 3.05175781E-5 : f32
    %mul3A_5 = vector.broadcast %mul3A : f32 to vector<1x32xf32>
    %mul3A_6 = arith.mulf %slice3A, %mul3A_5 : vector<1x32xf32>
    %slice3A_7 = vector.extract_strided_slice %get3A_1 {offsets = [1, 0], sizes = [1, 32], strides = [1, 1]} : vector<8x32xf32> to vector<1x32xf32>
    %mul3A_8 = arith.constant 3.05175781E-5 : f32
    %mul3A_9 = vector.broadcast %mul3A_8 : f32 to vector<1x32xf32>
    %mul3A_10 = arith.mulf %slice3A_7, %mul3A_9 : vector<1x32xf32>
    %mul3A_11 = arith.mulf %mul3A_6, %mul3A_6 : vector<1x32xf32>
    %sub3A = arith.subf %mul3A_10, %mul3A_11 : vector<1x32xf32>
    %slice3A_12 = vector.extract_strided_slice %get3A_4 {offsets = [0, 0], sizes = [1, 32], strides = [1, 1]} : vector<8x32xf32> to vector<1x32xf32>
    %add3A = arith.constant 9.99999974E-6 : f32
    %add3A_13 = vector.broadcast %add3A : f32 to vector<1x32xf32>
    %add3A_14 = arith.addf %sub3A, %add3A_13 : vector<1x32xf32>
    %sqrt3A = math.sqrt %add3A_14 : vector<1x32xf32>
    %div3A = arith.divf %slice3A_12, %sqrt3A : vector<1x32xf32>
    %slice3A_15 = vector.extract_strided_slice %get3A_4 {offsets = [1, 0], sizes = [1, 32], strides = [1, 1]} : vector<8x32xf32> to vector<1x32xf32>
    %mul3A_16 = arith.mulf %mul3A_6, %div3A : vector<1x32xf32>
    %sub3A_17 = arith.subf %slice3A_15, %mul3A_16 : vector<1x32xf32>
    %get3A_18 = arith.constant 0 : index
    %get3A_19 = arith.constant 0 : index
    %get3A_20 = vector.load %arg1[%get3A_18, %get3A_19] : memref<1024x32xf32, #tpu.memory_space<vmem>>, vector<1024x32xf32>
    %mul3A_21 = vector.broadcast %div3A : vector<1x32xf32> to vector<1024x32xf32>
    %mul3A_22 = arith.mulf %get3A_20, %mul3A_21 : vector<1024x32xf32>
    %add3A_23 = vector.broadcast %sub3A_17 : vector<1x32xf32> to vector<1024x32xf32>
    %add3A_24 = arith.addf %mul3A_22, %add3A_23 : vector<1024x32xf32>
    %max3A = arith.constant 0.000000e+00 : f32
    %max3A_25 = vector.broadcast %max3A : f32 to vector<1024x32xf32>
    %max3A_26 = arith.maximumf %add3A_24, %max3A_25 : vector<1024x32xf32>
    %get3A_27 = arith.constant 0 : index
    %get3A_28 = arith.constant 0 : index
    %get3A_29 = vector.load %arg4[%get3A_27, %get3A_28] : memref<32x64xf32, #tpu.memory_space<vmem>>, vector<32x64xf32>
    %dot_general3A = arith.constant dense<0.000000e+00> : vector<1024x64xf32>
    %dot_general3A_30 = tpu.matmul %max3A_26, %get3A_29, %dot_general3A {dimension_numbers = #tpu.dot_dimension_numbers<[1], [0], [0], [1], [0, 0, 1, 1], [], []>, transpose_lhs_hint = false} : vector<1024x32xf32>, vector<32x64xf32>, vector<1024x64xf32> -> vector<1024x64xf32>
    %swap3A = arith.constant 0 : index
    %swap3A_31 = arith.constant 0 : index
    %swap3A_32 = vector.load %arg5[%swap3A, %swap3A_31] : memref<1024x64xf32, #tpu.memory_space<vmem>>, vector<1024x64xf32>
    tpu.vector_store %arg5[%swap3A, %swap3A_31], %dot_general3A_30 {strides = array<i32>} : memref<1024x64xf32, #tpu.memory_space<vmem>>, vector<1024x64xf32>,
    %eq3A = arith.constant 0 : i32
    %eq3A_33 = arith.cmpi eq, %arg0, %eq3A : i32
    %convert_element_type3A = arith.extui %eq3A_33 : i1 to i32
    %cond3A = arith.constant 0 : i32
    %cond3A_34 = arith.cmpi ne, %convert_element_type3A, %cond3A : i32
    scf.if %cond3A_34 {
      %broadcast_in_dim3A_49 = arith.constant 0.000000e+00 : f32
      %broadcast_in_dim3A_50 = vector.broadcast %broadcast_in_dim3A_49 : f32 to vector<8x64xf32>
      %swap3A_51 = arith.constant 0 : index
      %swap3A_52 = arith.constant 0 : index
      %swap3A_53 = vector.load %arg6[%swap3A_51, %swap3A_52] : memref<8x64xf32, #tpu.memory_space<vmem>>, vector<8x64xf32>
      tpu.vector_store %arg6[%swap3A_51, %swap3A_52], %broadcast_in_dim3A_50 {strides = array<i32>} : memref<8x64xf32, #tpu.memory_space<vmem>>, vector<8x64xf32>,
    } else {
    }
    %reduce_sum3A = arith.constant dense<0.000000e+00> : vector<64xf32>
    %reduce_sum3A_35 = vector.multi_reduction <add>, %dot_general3A_30, %reduce_sum3A [0] : vector<1024x64xf32> to vector<64xf32>
    %broadcast_in_dim3A = vector.shape_cast %reduce_sum3A_35 : vector<64xf32> to vector<1x64xf32>
    %mul3A_36 = arith.mulf %dot_general3A_30, %dot_general3A_30 : vector<1024x64xf32>
    %reduce_sum3A_37 = arith.constant dense<0.000000e+00> : vector<64xf32>
    %reduce_sum3A_38 = vector.multi_reduction <add>, %mul3A_36, %reduce_sum3A_37 [0] : vector<1024x64xf32> to vector<64xf32>
    %broadcast_in_dim3A_39 = vector.shape_cast %reduce_sum3A_38 : vector<64xf32> to vector<1x64xf32>
    %get3A_40 = arith.constant 0 : index
    %get3A_41 = arith.constant 0 : index
    %get3A_42 = vector.load %arg6[%get3A_40, %get3A_41] : memref<8x64xf32, #tpu.memory_space<vmem>>, vector<8x64xf32>
    %broadcast_in_dim3A_43 = arith.constant 0.000000e+00 : f32
    %broadcast_in_dim3A_44 = vector.broadcast %broadcast_in_dim3A_43 : f32 to vector<6x64xf32>
    %concatenate3A = tpu.concatenate %broadcast_in_dim3A, %broadcast_in_dim3A_39, %broadcast_in_dim3A_44 in 0 : vector<1x64xf32>, vector<1x64xf32>, vector<6x64xf32> -> vector<8x64xf32>
    %add3A_45 = arith.addf %get3A_42, %concatenate3A : vector<8x64xf32>
    %swap3A_46 = arith.constant 0 : index
    %swap3A_47 = arith.constant 0 : index
    %swap3A_48 = vector.load %arg6[%swap3A_46, %swap3A_47] : memref<8x64xf32, #tpu.memory_space<vmem>>, vector<8x64xf32>
    tpu.vector_store %arg6[%swap3A_46, %swap3A_47], %add3A_45 {strides = array<i32>} : memref<8x64xf32, #tpu.memory_space<vmem>>, vector<8x64xf32>,
    return
  }
  func.func @transform_0(%arg0: i32) -> (i32, i32) {
    %c0_i32 = arith.constant 0 : i32
    %c0_i32_0 = arith.constant 0 : i32
    return %arg0, %c0_i32 : i32, i32
  }
  func.func @transform_1(%arg0: i32) -> (i32, i32) {
    %c0_i32 = arith.constant 0 : i32
    %c0_i32_0 = arith.constant 0 : i32
    %c0_i32_1 = arith.constant 0 : i32
    return %c0_i32, %c0_i32_0 : i32, i32
  }
  func.func @transform_2(%arg0: i32) -> (i32, i32) {
    %c0_i32 = arith.constant 0 : i32
    %c0_i32_0 = arith.constant 0 : i32
    %c0_i32_1 = arith.constant 0 : i32
    return %c0_i32, %c0_i32_0 : i32, i32
  }
  func.func @transform_3(%arg0: i32) -> (i32, i32) {
    %c0_i32 = arith.constant 0 : i32
    %c0_i32_0 = arith.constant 0 : i32
    %c0_i32_1 = arith.constant 0 : i32
    return %c0_i32, %c0_i32_0 : i32, i32
  }
  func.func @transform_4(%arg0: i32) -> (i32, i32) {
    %c0_i32 = arith.constant 0 : i32
    %c0_i32_0 = arith.constant 0 : i32
    return %arg0, %c0_i32 : i32, i32
  }
  func.func @transform_5(%arg0: i32) -> (i32, i32) {
    %c0_i32 = arith.constant 0 : i32
    %c0_i32_0 = arith.constant 0 : i32
    %c0_i32_1 = arith.constant 0 : i32
    return %c0_i32, %c0_i32_0 : i32, i32
  }
}

module attributes {stable_mosaic.version = 14 : i64} {
  func.func @_mpool_body(%arg0: i32, %arg1: memref<64x16x64xf32, #tpu.memory_space<vmem>>, %arg2: memref<8x64xf32, #tpu.memory_space<vmem>>, %arg3: memref<8x64xf32, #tpu.memory_space<vmem>>, %arg4: memref<64x64xf32, #tpu.memory_space<vmem>>) attributes {dimension_semantics = [#tpu.dimension_semantics<arbitrary>], iteration_bounds = array<i64: 32>, scalar_prefetch = 0 : i64, scratch_operands = 0 : i64, tpu.core_type = #tpu.core_type<tc>, window_params = [{transform_indices = @transform_0, window_bounds = array<i64: 64, 16, 64>}, {pipeline_mode = #tpu.pipeline_mode<synchronous>, transform_indices = @transform_1, window_bounds = array<i64: 8, 64>}, {pipeline_mode = #tpu.pipeline_mode<synchronous>, transform_indices = @transform_2, window_bounds = array<i64: 8, 64>}, {transform_indices = @transform_3, window_bounds = array<i64: 64, 64>}]} {
    %get3A = arith.constant 0 : index
    %get3A_0 = arith.constant 0 : index
    %get3A_1 = vector.load %arg2[%get3A, %get3A_0] : memref<8x64xf32, #tpu.memory_space<vmem>>, vector<8x64xf32>
    %get3A_2 = arith.constant 0 : index
    %get3A_3 = arith.constant 0 : index
    %get3A_4 = vector.load %arg3[%get3A_2, %get3A_3] : memref<8x64xf32, #tpu.memory_space<vmem>>, vector<8x64xf32>
    %slice3A = vector.extract_strided_slice %get3A_1 {offsets = [0, 0], sizes = [1, 64], strides = [1, 1]} : vector<8x64xf32> to vector<1x64xf32>
    %mul3A = arith.constant 3.05175781E-5 : f32
    %mul3A_5 = vector.broadcast %mul3A : f32 to vector<1x64xf32>
    %mul3A_6 = arith.mulf %slice3A, %mul3A_5 : vector<1x64xf32>
    %slice3A_7 = vector.extract_strided_slice %get3A_1 {offsets = [1, 0], sizes = [1, 64], strides = [1, 1]} : vector<8x64xf32> to vector<1x64xf32>
    %mul3A_8 = arith.constant 3.05175781E-5 : f32
    %mul3A_9 = vector.broadcast %mul3A_8 : f32 to vector<1x64xf32>
    %mul3A_10 = arith.mulf %slice3A_7, %mul3A_9 : vector<1x64xf32>
    %mul3A_11 = arith.mulf %mul3A_6, %mul3A_6 : vector<1x64xf32>
    %sub3A = arith.subf %mul3A_10, %mul3A_11 : vector<1x64xf32>
    %slice3A_12 = vector.extract_strided_slice %get3A_4 {offsets = [0, 0], sizes = [1, 64], strides = [1, 1]} : vector<8x64xf32> to vector<1x64xf32>
    %add3A = arith.constant 9.99999974E-6 : f32
    %add3A_13 = vector.broadcast %add3A : f32 to vector<1x64xf32>
    %add3A_14 = arith.addf %sub3A, %add3A_13 : vector<1x64xf32>
    %sqrt3A = math.sqrt %add3A_14 : vector<1x64xf32>
    %div3A = arith.divf %slice3A_12, %sqrt3A : vector<1x64xf32>
    %slice3A_15 = vector.extract_strided_slice %get3A_4 {offsets = [1, 0], sizes = [1, 64], strides = [1, 1]} : vector<8x64xf32> to vector<1x64xf32>
    %mul3A_16 = arith.mulf %mul3A_6, %div3A : vector<1x64xf32>
    %sub3A_17 = arith.subf %slice3A_15, %mul3A_16 : vector<1x64xf32>
    %get3A_18 = arith.constant 0 : index
    %get3A_19 = arith.constant 0 : index
    %get3A_20 = arith.constant 0 : index
    %get3A_21 = vector.load %arg1[%get3A_18, %get3A_19, %get3A_20] : memref<64x16x64xf32, #tpu.memory_space<vmem>>, vector<64x16x64xf32>
    %broadcast_in_dim3A = vector.shape_cast %div3A : vector<1x64xf32> to vector<1x1x64xf32>
    %mul3A_22 = vector.broadcast %broadcast_in_dim3A : vector<1x1x64xf32> to vector<64x16x64xf32>
    %mul3A_23 = arith.mulf %get3A_21, %mul3A_22 : vector<64x16x64xf32>
    %broadcast_in_dim3A_24 = vector.shape_cast %sub3A_17 : vector<1x64xf32> to vector<1x1x64xf32>
    %add3A_25 = vector.broadcast %broadcast_in_dim3A_24 : vector<1x1x64xf32> to vector<64x16x64xf32>
    %add3A_26 = arith.addf %mul3A_23, %add3A_25 : vector<64x16x64xf32>
    %max3A = arith.constant 0.000000e+00 : f32
    %max3A_27 = vector.broadcast %max3A : f32 to vector<64x16x64xf32>
    %max3A_28 = arith.maximumf %add3A_26, %max3A_27 : vector<64x16x64xf32>
    %reduce_max3A = arith.constant dense<0xFF800000> : vector<64x64xf32>
    %reduce_max3A_29 = vector.multi_reduction <maximumf>, %max3A_28, %reduce_max3A [1] : vector<64x16x64xf32> to vector<64x64xf32>
    %swap3A = arith.constant 0 : index
    %swap3A_30 = arith.constant 0 : index
    %swap3A_31 = vector.load %arg4[%swap3A, %swap3A_30] : memref<64x64xf32, #tpu.memory_space<vmem>>, vector<64x64xf32>
    tpu.vector_store %arg4[%swap3A, %swap3A_30], %reduce_max3A_29 {strides = array<i32>} : memref<64x64xf32, #tpu.memory_space<vmem>>, vector<64x64xf32>,
    return
  }
  func.func @transform_0(%arg0: i32) -> (i32, i32, i32) {
    %c0_i32 = arith.constant 0 : i32
    %c0_i32_0 = arith.constant 0 : i32
    %c0_i32_1 = arith.constant 0 : i32
    return %arg0, %c0_i32, %c0_i32_0 : i32, i32, i32
  }
  func.func @transform_1(%arg0: i32) -> (i32, i32) {
    %c0_i32 = arith.constant 0 : i32
    %c0_i32_0 = arith.constant 0 : i32
    %c0_i32_1 = arith.constant 0 : i32
    return %c0_i32, %c0_i32_0 : i32, i32
  }
  func.func @transform_2(%arg0: i32) -> (i32, i32) {
    %c0_i32 = arith.constant 0 : i32
    %c0_i32_0 = arith.constant 0 : i32
    %c0_i32_1 = arith.constant 0 : i32
    return %c0_i32, %c0_i32_0 : i32, i32
  }
  func.func @transform_3(%arg0: i32) -> (i32, i32) {
    %c0_i32 = arith.constant 0 : i32
    %c0_i32_0 = arith.constant 0 : i32
    return %arg0, %c0_i32 : i32, i32
  }
}

module attributes {stable_mosaic.version = 14 : i64} {
  func.func @_m1_body(%arg0: i32, %arg1: memref<1024x128xf32, #tpu.memory_space<vmem>>, %arg2: memref<1024x128xf32, #tpu.memory_space<vmem>>, %arg3: memref<128x64xf32, #tpu.memory_space<vmem>>, %arg4: memref<1024x64xf32, #tpu.memory_space<vmem>>, %arg5: memref<8x64xf32, #tpu.memory_space<vmem>>) attributes {dimension_semantics = [#tpu.dimension_semantics<arbitrary>], iteration_bounds = array<i64: 64>, scalar_prefetch = 0 : i64, scratch_operands = 0 : i64, tpu.core_type = #tpu.core_type<tc>, window_params = [{transform_indices = @transform_0, window_bounds = array<i64: 1024, 128>}, {transform_indices = @transform_1, window_bounds = array<i64: 1024, 128>}, {pipeline_mode = #tpu.pipeline_mode<synchronous>, transform_indices = @transform_2, window_bounds = array<i64: 128, 64>}, {transform_indices = @transform_3, window_bounds = array<i64: 1024, 64>}, {pipeline_mode = #tpu.pipeline_mode<synchronous>, transform_indices = @transform_4, window_bounds = array<i64: 8, 64>}]} {
    %get3A = arith.constant 0 : index
    %get3A_0 = arith.constant 0 : index
    %get3A_1 = vector.load %arg1[%get3A, %get3A_0] : memref<1024x128xf32, #tpu.memory_space<vmem>>, vector<1024x128xf32>
    %get3A_2 = arith.constant 0 : index
    %get3A_3 = arith.constant 0 : index
    %get3A_4 = vector.load %arg2[%get3A_2, %get3A_3] : memref<1024x128xf32, #tpu.memory_space<vmem>>, vector<1024x128xf32>
    %sub3A = arith.subf %get3A_1, %get3A_4 : vector<1024x128xf32>
    %get3A_5 = arith.constant 0 : index
    %get3A_6 = arith.constant 0 : index
    %get3A_7 = vector.load %arg3[%get3A_5, %get3A_6] : memref<128x64xf32, #tpu.memory_space<vmem>>, vector<128x64xf32>
    %dot_general3A = arith.constant dense<0.000000e+00> : vector<1024x64xf32>
    %dot_general3A_8 = tpu.matmul %sub3A, %get3A_7, %dot_general3A {dimension_numbers = #tpu.dot_dimension_numbers<[1], [0], [0], [1], [0, 0, 1, 1], [], []>, transpose_lhs_hint = false} : vector<1024x128xf32>, vector<128x64xf32>, vector<1024x64xf32> -> vector<1024x64xf32>
    %swap3A = arith.constant 0 : index
    %swap3A_9 = arith.constant 0 : index
    %swap3A_10 = vector.load %arg4[%swap3A, %swap3A_9] : memref<1024x64xf32, #tpu.memory_space<vmem>>, vector<1024x64xf32>
    tpu.vector_store %arg4[%swap3A, %swap3A_9], %dot_general3A_8 {strides = array<i32>} : memref<1024x64xf32, #tpu.memory_space<vmem>>, vector<1024x64xf32>,
    %eq3A = arith.constant 0 : i32
    %eq3A_11 = arith.cmpi eq, %arg0, %eq3A : i32
    %convert_element_type3A = arith.extui %eq3A_11 : i1 to i32
    %cond3A = arith.constant 0 : i32
    %cond3A_12 = arith.cmpi ne, %convert_element_type3A, %cond3A : i32
    scf.if %cond3A_12 {
      %broadcast_in_dim3A_25 = arith.constant 0.000000e+00 : f32
      %broadcast_in_dim3A_26 = vector.broadcast %broadcast_in_dim3A_25 : f32 to vector<8x64xf32>
      %swap3A_27 = arith.constant 0 : index
      %swap3A_28 = arith.constant 0 : index
      %swap3A_29 = vector.load %arg5[%swap3A_27, %swap3A_28] : memref<8x64xf32, #tpu.memory_space<vmem>>, vector<8x64xf32>
      tpu.vector_store %arg5[%swap3A_27, %swap3A_28], %broadcast_in_dim3A_26 {strides = array<i32>} : memref<8x64xf32, #tpu.memory_space<vmem>>, vector<8x64xf32>,
    } else {
    }
    %reduce_sum3A = arith.constant dense<0.000000e+00> : vector<64xf32>
    %reduce_sum3A_13 = vector.multi_reduction <add>, %dot_general3A_8, %reduce_sum3A [0] : vector<1024x64xf32> to vector<64xf32>
    %broadcast_in_dim3A = vector.shape_cast %reduce_sum3A_13 : vector<64xf32> to vector<1x64xf32>
    %mul3A = arith.mulf %dot_general3A_8, %dot_general3A_8 : vector<1024x64xf32>
    %reduce_sum3A_14 = arith.constant dense<0.000000e+00> : vector<64xf32>
    %reduce_sum3A_15 = vector.multi_reduction <add>, %mul3A, %reduce_sum3A_14 [0] : vector<1024x64xf32> to vector<64xf32>
    %broadcast_in_dim3A_16 = vector.shape_cast %reduce_sum3A_15 : vector<64xf32> to vector<1x64xf32>
    %get3A_17 = arith.constant 0 : index
    %get3A_18 = arith.constant 0 : index
    %get3A_19 = vector.load %arg5[%get3A_17, %get3A_18] : memref<8x64xf32, #tpu.memory_space<vmem>>, vector<8x64xf32>
    %broadcast_in_dim3A_20 = arith.constant 0.000000e+00 : f32
    %broadcast_in_dim3A_21 = vector.broadcast %broadcast_in_dim3A_20 : f32 to vector<6x64xf32>
    %concatenate3A = tpu.concatenate %broadcast_in_dim3A, %broadcast_in_dim3A_16, %broadcast_in_dim3A_21 in 0 : vector<1x64xf32>, vector<1x64xf32>, vector<6x64xf32> -> vector<8x64xf32>
    %add3A = arith.addf %get3A_19, %concatenate3A : vector<8x64xf32>
    %swap3A_22 = arith.constant 0 : index
    %swap3A_23 = arith.constant 0 : index
    %swap3A_24 = vector.load %arg5[%swap3A_22, %swap3A_23] : memref<8x64xf32, #tpu.memory_space<vmem>>, vector<8x64xf32>
    tpu.vector_store %arg5[%swap3A_22, %swap3A_23], %add3A {strides = array<i32>} : memref<8x64xf32, #tpu.memory_space<vmem>>, vector<8x64xf32>,
    return
  }
  func.func @transform_0(%arg0: i32) -> (i32, i32) {
    %c0_i32 = arith.constant 0 : i32
    %c0_i32_0 = arith.constant 0 : i32
    return %arg0, %c0_i32 : i32, i32
  }
  func.func @transform_1(%arg0: i32) -> (i32, i32) {
    %c0_i32 = arith.constant 0 : i32
    %c0_i32_0 = arith.constant 0 : i32
    return %arg0, %c0_i32 : i32, i32
  }
  func.func @transform_2(%arg0: i32) -> (i32, i32) {
    %c0_i32 = arith.constant 0 : i32
    %c0_i32_0 = arith.constant 0 : i32
    %c0_i32_1 = arith.constant 0 : i32
    return %c0_i32, %c0_i32_0 : i32, i32
  }
  func.func @transform_3(%arg0: i32) -> (i32, i32) {
    %c0_i32 = arith.constant 0 : i32
    %c0_i32_0 = arith.constant 0 : i32
    return %arg0, %c0_i32 : i32, i32
  }
  func.func @transform_4(%arg0: i32) -> (i32, i32) {
    %c0_i32 = arith.constant 0 : i32
    %c0_i32_0 = arith.constant 0 : i32
    %c0_i32_1 = arith.constant 0 : i32
    return %c0_i32, %c0_i32_0 : i32, i32
  }
}

module attributes {stable_mosaic.version = 14 : i64} {
  func.func @_mmid_body(%arg0: i32, %arg1: memref<1024x64xf32, #tpu.memory_space<vmem>>, %arg2: memref<8x64xf32, #tpu.memory_space<vmem>>, %arg3: memref<8x64xf32, #tpu.memory_space<vmem>>, %arg4: memref<64x64xf32, #tpu.memory_space<vmem>>, %arg5: memref<1024x64xf32, #tpu.memory_space<vmem>>, %arg6: memref<8x64xf32, #tpu.memory_space<vmem>>) attributes {dimension_semantics = [#tpu.dimension_semantics<arbitrary>], iteration_bounds = array<i64: 64>, scalar_prefetch = 0 : i64, scratch_operands = 0 : i64, tpu.core_type = #tpu.core_type<tc>, window_params = [{transform_indices = @transform_0, window_bounds = array<i64: 1024, 64>}, {pipeline_mode = #tpu.pipeline_mode<synchronous>, transform_indices = @transform_1, window_bounds = array<i64: 8, 64>}, {pipeline_mode = #tpu.pipeline_mode<synchronous>, transform_indices = @transform_2, window_bounds = array<i64: 8, 64>}, {pipeline_mode = #tpu.pipeline_mode<synchronous>, transform_indices = @transform_3, window_bounds = array<i64: 64, 64>}, {transform_indices = @transform_4, window_bounds = array<i64: 1024, 64>}, {pipeline_mode = #tpu.pipeline_mode<synchronous>, transform_indices = @transform_5, window_bounds = array<i64: 8, 64>}]} {
    %get3A = arith.constant 0 : index
    %get3A_0 = arith.constant 0 : index
    %get3A_1 = vector.load %arg2[%get3A, %get3A_0] : memref<8x64xf32, #tpu.memory_space<vmem>>, vector<8x64xf32>
    %get3A_2 = arith.constant 0 : index
    %get3A_3 = arith.constant 0 : index
    %get3A_4 = vector.load %arg3[%get3A_2, %get3A_3] : memref<8x64xf32, #tpu.memory_space<vmem>>, vector<8x64xf32>
    %slice3A = vector.extract_strided_slice %get3A_1 {offsets = [0, 0], sizes = [1, 64], strides = [1, 1]} : vector<8x64xf32> to vector<1x64xf32>
    %mul3A = arith.constant 1.52587891E-5 : f32
    %mul3A_5 = vector.broadcast %mul3A : f32 to vector<1x64xf32>
    %mul3A_6 = arith.mulf %slice3A, %mul3A_5 : vector<1x64xf32>
    %slice3A_7 = vector.extract_strided_slice %get3A_1 {offsets = [1, 0], sizes = [1, 64], strides = [1, 1]} : vector<8x64xf32> to vector<1x64xf32>
    %mul3A_8 = arith.constant 1.52587891E-5 : f32
    %mul3A_9 = vector.broadcast %mul3A_8 : f32 to vector<1x64xf32>
    %mul3A_10 = arith.mulf %slice3A_7, %mul3A_9 : vector<1x64xf32>
    %mul3A_11 = arith.mulf %mul3A_6, %mul3A_6 : vector<1x64xf32>
    %sub3A = arith.subf %mul3A_10, %mul3A_11 : vector<1x64xf32>
    %slice3A_12 = vector.extract_strided_slice %get3A_4 {offsets = [0, 0], sizes = [1, 64], strides = [1, 1]} : vector<8x64xf32> to vector<1x64xf32>
    %add3A = arith.constant 9.99999974E-6 : f32
    %add3A_13 = vector.broadcast %add3A : f32 to vector<1x64xf32>
    %add3A_14 = arith.addf %sub3A, %add3A_13 : vector<1x64xf32>
    %sqrt3A = math.sqrt %add3A_14 : vector<1x64xf32>
    %div3A = arith.divf %slice3A_12, %sqrt3A : vector<1x64xf32>
    %slice3A_15 = vector.extract_strided_slice %get3A_4 {offsets = [1, 0], sizes = [1, 64], strides = [1, 1]} : vector<8x64xf32> to vector<1x64xf32>
    %mul3A_16 = arith.mulf %mul3A_6, %div3A : vector<1x64xf32>
    %sub3A_17 = arith.subf %slice3A_15, %mul3A_16 : vector<1x64xf32>
    %get3A_18 = arith.constant 0 : index
    %get3A_19 = arith.constant 0 : index
    %get3A_20 = vector.load %arg1[%get3A_18, %get3A_19] : memref<1024x64xf32, #tpu.memory_space<vmem>>, vector<1024x64xf32>
    %mul3A_21 = vector.broadcast %div3A : vector<1x64xf32> to vector<1024x64xf32>
    %mul3A_22 = arith.mulf %get3A_20, %mul3A_21 : vector<1024x64xf32>
    %add3A_23 = vector.broadcast %sub3A_17 : vector<1x64xf32> to vector<1024x64xf32>
    %add3A_24 = arith.addf %mul3A_22, %add3A_23 : vector<1024x64xf32>
    %max3A = arith.constant 0.000000e+00 : f32
    %max3A_25 = vector.broadcast %max3A : f32 to vector<1024x64xf32>
    %max3A_26 = arith.maximumf %add3A_24, %max3A_25 : vector<1024x64xf32>
    %get3A_27 = arith.constant 0 : index
    %get3A_28 = arith.constant 0 : index
    %get3A_29 = vector.load %arg4[%get3A_27, %get3A_28] : memref<64x64xf32, #tpu.memory_space<vmem>>, vector<64x64xf32>
    %dot_general3A = arith.constant dense<0.000000e+00> : vector<1024x64xf32>
    %dot_general3A_30 = tpu.matmul %max3A_26, %get3A_29, %dot_general3A {dimension_numbers = #tpu.dot_dimension_numbers<[1], [0], [0], [1], [0, 0, 1, 1], [], []>, transpose_lhs_hint = false} : vector<1024x64xf32>, vector<64x64xf32>, vector<1024x64xf32> -> vector<1024x64xf32>
    %swap3A = arith.constant 0 : index
    %swap3A_31 = arith.constant 0 : index
    %swap3A_32 = vector.load %arg5[%swap3A, %swap3A_31] : memref<1024x64xf32, #tpu.memory_space<vmem>>, vector<1024x64xf32>
    tpu.vector_store %arg5[%swap3A, %swap3A_31], %dot_general3A_30 {strides = array<i32>} : memref<1024x64xf32, #tpu.memory_space<vmem>>, vector<1024x64xf32>,
    %eq3A = arith.constant 0 : i32
    %eq3A_33 = arith.cmpi eq, %arg0, %eq3A : i32
    %convert_element_type3A = arith.extui %eq3A_33 : i1 to i32
    %cond3A = arith.constant 0 : i32
    %cond3A_34 = arith.cmpi ne, %convert_element_type3A, %cond3A : i32
    scf.if %cond3A_34 {
      %broadcast_in_dim3A_49 = arith.constant 0.000000e+00 : f32
      %broadcast_in_dim3A_50 = vector.broadcast %broadcast_in_dim3A_49 : f32 to vector<8x64xf32>
      %swap3A_51 = arith.constant 0 : index
      %swap3A_52 = arith.constant 0 : index
      %swap3A_53 = vector.load %arg6[%swap3A_51, %swap3A_52] : memref<8x64xf32, #tpu.memory_space<vmem>>, vector<8x64xf32>
      tpu.vector_store %arg6[%swap3A_51, %swap3A_52], %broadcast_in_dim3A_50 {strides = array<i32>} : memref<8x64xf32, #tpu.memory_space<vmem>>, vector<8x64xf32>,
    } else {
    }
    %reduce_sum3A = arith.constant dense<0.000000e+00> : vector<64xf32>
    %reduce_sum3A_35 = vector.multi_reduction <add>, %dot_general3A_30, %reduce_sum3A [0] : vector<1024x64xf32> to vector<64xf32>
    %broadcast_in_dim3A = vector.shape_cast %reduce_sum3A_35 : vector<64xf32> to vector<1x64xf32>
    %mul3A_36 = arith.mulf %dot_general3A_30, %dot_general3A_30 : vector<1024x64xf32>
    %reduce_sum3A_37 = arith.constant dense<0.000000e+00> : vector<64xf32>
    %reduce_sum3A_38 = vector.multi_reduction <add>, %mul3A_36, %reduce_sum3A_37 [0] : vector<1024x64xf32> to vector<64xf32>
    %broadcast_in_dim3A_39 = vector.shape_cast %reduce_sum3A_38 : vector<64xf32> to vector<1x64xf32>
    %get3A_40 = arith.constant 0 : index
    %get3A_41 = arith.constant 0 : index
    %get3A_42 = vector.load %arg6[%get3A_40, %get3A_41] : memref<8x64xf32, #tpu.memory_space<vmem>>, vector<8x64xf32>
    %broadcast_in_dim3A_43 = arith.constant 0.000000e+00 : f32
    %broadcast_in_dim3A_44 = vector.broadcast %broadcast_in_dim3A_43 : f32 to vector<6x64xf32>
    %concatenate3A = tpu.concatenate %broadcast_in_dim3A, %broadcast_in_dim3A_39, %broadcast_in_dim3A_44 in 0 : vector<1x64xf32>, vector<1x64xf32>, vector<6x64xf32> -> vector<8x64xf32>
    %add3A_45 = arith.addf %get3A_42, %concatenate3A : vector<8x64xf32>
    %swap3A_46 = arith.constant 0 : index
    %swap3A_47 = arith.constant 0 : index
    %swap3A_48 = vector.load %arg6[%swap3A_46, %swap3A_47] : memref<8x64xf32, #tpu.memory_space<vmem>>, vector<8x64xf32>
    tpu.vector_store %arg6[%swap3A_46, %swap3A_47], %add3A_45 {strides = array<i32>} : memref<8x64xf32, #tpu.memory_space<vmem>>, vector<8x64xf32>,
    return
  }
  func.func @transform_0(%arg0: i32) -> (i32, i32) {
    %c0_i32 = arith.constant 0 : i32
    %c0_i32_0 = arith.constant 0 : i32
    return %arg0, %c0_i32 : i32, i32
  }
  func.func @transform_1(%arg0: i32) -> (i32, i32) {
    %c0_i32 = arith.constant 0 : i32
    %c0_i32_0 = arith.constant 0 : i32
    %c0_i32_1 = arith.constant 0 : i32
    return %c0_i32, %c0_i32_0 : i32, i32
  }
  func.func @transform_2(%arg0: i32) -> (i32, i32) {
    %c0_i32 = arith.constant 0 : i32
    %c0_i32_0 = arith.constant 0 : i32
    %c0_i32_1 = arith.constant 0 : i32
    return %c0_i32, %c0_i32_0 : i32, i32
  }
  func.func @transform_3(%arg0: i32) -> (i32, i32) {
    %c0_i32 = arith.constant 0 : i32
    %c0_i32_0 = arith.constant 0 : i32
    %c0_i32_1 = arith.constant 0 : i32
    return %c0_i32, %c0_i32_0 : i32, i32
  }
  func.func @transform_4(%arg0: i32) -> (i32, i32) {
    %c0_i32 = arith.constant 0 : i32
    %c0_i32_0 = arith.constant 0 : i32
    return %arg0, %c0_i32 : i32, i32
  }
  func.func @transform_5(%arg0: i32) -> (i32, i32) {
    %c0_i32 = arith.constant 0 : i32
    %c0_i32_0 = arith.constant 0 : i32
    %c0_i32_1 = arith.constant 0 : i32
    return %c0_i32, %c0_i32_0 : i32, i32
  }
}

module attributes {stable_mosaic.version = 14 : i64} {
  func.func @_mmid_body(%arg0: i32, %arg1: memref<1024x64xf32, #tpu.memory_space<vmem>>, %arg2: memref<8x64xf32, #tpu.memory_space<vmem>>, %arg3: memref<8x64xf32, #tpu.memory_space<vmem>>, %arg4: memref<64x128xf32, #tpu.memory_space<vmem>>, %arg5: memref<1024x128xf32, #tpu.memory_space<vmem>>, %arg6: memref<8x128xf32, #tpu.memory_space<vmem>>) attributes {dimension_semantics = [#tpu.dimension_semantics<arbitrary>], iteration_bounds = array<i64: 64>, scalar_prefetch = 0 : i64, scratch_operands = 0 : i64, tpu.core_type = #tpu.core_type<tc>, window_params = [{transform_indices = @transform_0, window_bounds = array<i64: 1024, 64>}, {pipeline_mode = #tpu.pipeline_mode<synchronous>, transform_indices = @transform_1, window_bounds = array<i64: 8, 64>}, {pipeline_mode = #tpu.pipeline_mode<synchronous>, transform_indices = @transform_2, window_bounds = array<i64: 8, 64>}, {pipeline_mode = #tpu.pipeline_mode<synchronous>, transform_indices = @transform_3, window_bounds = array<i64: 64, 128>}, {transform_indices = @transform_4, window_bounds = array<i64: 1024, 128>}, {pipeline_mode = #tpu.pipeline_mode<synchronous>, transform_indices = @transform_5, window_bounds = array<i64: 8, 128>}]} {
    %get3A = arith.constant 0 : index
    %get3A_0 = arith.constant 0 : index
    %get3A_1 = vector.load %arg2[%get3A, %get3A_0] : memref<8x64xf32, #tpu.memory_space<vmem>>, vector<8x64xf32>
    %get3A_2 = arith.constant 0 : index
    %get3A_3 = arith.constant 0 : index
    %get3A_4 = vector.load %arg3[%get3A_2, %get3A_3] : memref<8x64xf32, #tpu.memory_space<vmem>>, vector<8x64xf32>
    %slice3A = vector.extract_strided_slice %get3A_1 {offsets = [0, 0], sizes = [1, 64], strides = [1, 1]} : vector<8x64xf32> to vector<1x64xf32>
    %mul3A = arith.constant 1.52587891E-5 : f32
    %mul3A_5 = vector.broadcast %mul3A : f32 to vector<1x64xf32>
    %mul3A_6 = arith.mulf %slice3A, %mul3A_5 : vector<1x64xf32>
    %slice3A_7 = vector.extract_strided_slice %get3A_1 {offsets = [1, 0], sizes = [1, 64], strides = [1, 1]} : vector<8x64xf32> to vector<1x64xf32>
    %mul3A_8 = arith.constant 1.52587891E-5 : f32
    %mul3A_9 = vector.broadcast %mul3A_8 : f32 to vector<1x64xf32>
    %mul3A_10 = arith.mulf %slice3A_7, %mul3A_9 : vector<1x64xf32>
    %mul3A_11 = arith.mulf %mul3A_6, %mul3A_6 : vector<1x64xf32>
    %sub3A = arith.subf %mul3A_10, %mul3A_11 : vector<1x64xf32>
    %slice3A_12 = vector.extract_strided_slice %get3A_4 {offsets = [0, 0], sizes = [1, 64], strides = [1, 1]} : vector<8x64xf32> to vector<1x64xf32>
    %add3A = arith.constant 9.99999974E-6 : f32
    %add3A_13 = vector.broadcast %add3A : f32 to vector<1x64xf32>
    %add3A_14 = arith.addf %sub3A, %add3A_13 : vector<1x64xf32>
    %sqrt3A = math.sqrt %add3A_14 : vector<1x64xf32>
    %div3A = arith.divf %slice3A_12, %sqrt3A : vector<1x64xf32>
    %slice3A_15 = vector.extract_strided_slice %get3A_4 {offsets = [1, 0], sizes = [1, 64], strides = [1, 1]} : vector<8x64xf32> to vector<1x64xf32>
    %mul3A_16 = arith.mulf %mul3A_6, %div3A : vector<1x64xf32>
    %sub3A_17 = arith.subf %slice3A_15, %mul3A_16 : vector<1x64xf32>
    %get3A_18 = arith.constant 0 : index
    %get3A_19 = arith.constant 0 : index
    %get3A_20 = vector.load %arg1[%get3A_18, %get3A_19] : memref<1024x64xf32, #tpu.memory_space<vmem>>, vector<1024x64xf32>
    %mul3A_21 = vector.broadcast %div3A : vector<1x64xf32> to vector<1024x64xf32>
    %mul3A_22 = arith.mulf %get3A_20, %mul3A_21 : vector<1024x64xf32>
    %add3A_23 = vector.broadcast %sub3A_17 : vector<1x64xf32> to vector<1024x64xf32>
    %add3A_24 = arith.addf %mul3A_22, %add3A_23 : vector<1024x64xf32>
    %max3A = arith.constant 0.000000e+00 : f32
    %max3A_25 = vector.broadcast %max3A : f32 to vector<1024x64xf32>
    %max3A_26 = arith.maximumf %add3A_24, %max3A_25 : vector<1024x64xf32>
    %get3A_27 = arith.constant 0 : index
    %get3A_28 = arith.constant 0 : index
    %get3A_29 = vector.load %arg4[%get3A_27, %get3A_28] : memref<64x128xf32, #tpu.memory_space<vmem>>, vector<64x128xf32>
    %dot_general3A = arith.constant dense<0.000000e+00> : vector<1024x128xf32>
    %dot_general3A_30 = tpu.matmul %max3A_26, %get3A_29, %dot_general3A {dimension_numbers = #tpu.dot_dimension_numbers<[1], [0], [0], [1], [0, 0, 1, 1], [], []>, transpose_lhs_hint = false} : vector<1024x64xf32>, vector<64x128xf32>, vector<1024x128xf32> -> vector<1024x128xf32>
    %swap3A = arith.constant 0 : index
    %swap3A_31 = arith.constant 0 : index
    %swap3A_32 = vector.load %arg5[%swap3A, %swap3A_31] : memref<1024x128xf32, #tpu.memory_space<vmem>>, vector<1024x128xf32>
    tpu.vector_store %arg5[%swap3A, %swap3A_31], %dot_general3A_30 {strides = array<i32>} : memref<1024x128xf32, #tpu.memory_space<vmem>>, vector<1024x128xf32>,
    %eq3A = arith.constant 0 : i32
    %eq3A_33 = arith.cmpi eq, %arg0, %eq3A : i32
    %convert_element_type3A = arith.extui %eq3A_33 : i1 to i32
    %cond3A = arith.constant 0 : i32
    %cond3A_34 = arith.cmpi ne, %convert_element_type3A, %cond3A : i32
    scf.if %cond3A_34 {
      %broadcast_in_dim3A_49 = arith.constant 0.000000e+00 : f32
      %broadcast_in_dim3A_50 = vector.broadcast %broadcast_in_dim3A_49 : f32 to vector<8x128xf32>
      %swap3A_51 = arith.constant 0 : index
      %swap3A_52 = arith.constant 0 : index
      %swap3A_53 = vector.load %arg6[%swap3A_51, %swap3A_52] : memref<8x128xf32, #tpu.memory_space<vmem>>, vector<8x128xf32>
      tpu.vector_store %arg6[%swap3A_51, %swap3A_52], %broadcast_in_dim3A_50 {strides = array<i32>} : memref<8x128xf32, #tpu.memory_space<vmem>>, vector<8x128xf32>,
    } else {
    }
    %reduce_sum3A = arith.constant dense<0.000000e+00> : vector<128xf32>
    %reduce_sum3A_35 = vector.multi_reduction <add>, %dot_general3A_30, %reduce_sum3A [0] : vector<1024x128xf32> to vector<128xf32>
    %broadcast_in_dim3A = vector.shape_cast %reduce_sum3A_35 : vector<128xf32> to vector<1x128xf32>
    %mul3A_36 = arith.mulf %dot_general3A_30, %dot_general3A_30 : vector<1024x128xf32>
    %reduce_sum3A_37 = arith.constant dense<0.000000e+00> : vector<128xf32>
    %reduce_sum3A_38 = vector.multi_reduction <add>, %mul3A_36, %reduce_sum3A_37 [0] : vector<1024x128xf32> to vector<128xf32>
    %broadcast_in_dim3A_39 = vector.shape_cast %reduce_sum3A_38 : vector<128xf32> to vector<1x128xf32>
    %get3A_40 = arith.constant 0 : index
    %get3A_41 = arith.constant 0 : index
    %get3A_42 = vector.load %arg6[%get3A_40, %get3A_41] : memref<8x128xf32, #tpu.memory_space<vmem>>, vector<8x128xf32>
    %broadcast_in_dim3A_43 = arith.constant 0.000000e+00 : f32
    %broadcast_in_dim3A_44 = vector.broadcast %broadcast_in_dim3A_43 : f32 to vector<6x128xf32>
    %concatenate3A = tpu.concatenate %broadcast_in_dim3A, %broadcast_in_dim3A_39, %broadcast_in_dim3A_44 in 0 : vector<1x128xf32>, vector<1x128xf32>, vector<6x128xf32> -> vector<8x128xf32>
    %add3A_45 = arith.addf %get3A_42, %concatenate3A : vector<8x128xf32>
    %swap3A_46 = arith.constant 0 : index
    %swap3A_47 = arith.constant 0 : index
    %swap3A_48 = vector.load %arg6[%swap3A_46, %swap3A_47] : memref<8x128xf32, #tpu.memory_space<vmem>>, vector<8x128xf32>
    tpu.vector_store %arg6[%swap3A_46, %swap3A_47], %add3A_45 {strides = array<i32>} : memref<8x128xf32, #tpu.memory_space<vmem>>, vector<8x128xf32>,
    return
  }
  func.func @transform_0(%arg0: i32) -> (i32, i32) {
    %c0_i32 = arith.constant 0 : i32
    %c0_i32_0 = arith.constant 0 : i32
    return %arg0, %c0_i32 : i32, i32
  }
  func.func @transform_1(%arg0: i32) -> (i32, i32) {
    %c0_i32 = arith.constant 0 : i32
    %c0_i32_0 = arith.constant 0 : i32
    %c0_i32_1 = arith.constant 0 : i32
    return %c0_i32, %c0_i32_0 : i32, i32
  }
  func.func @transform_2(%arg0: i32) -> (i32, i32) {
    %c0_i32 = arith.constant 0 : i32
    %c0_i32_0 = arith.constant 0 : i32
    %c0_i32_1 = arith.constant 0 : i32
    return %c0_i32, %c0_i32_0 : i32, i32
  }
  func.func @transform_3(%arg0: i32) -> (i32, i32) {
    %c0_i32 = arith.constant 0 : i32
    %c0_i32_0 = arith.constant 0 : i32
    %c0_i32_1 = arith.constant 0 : i32
    return %c0_i32, %c0_i32_0 : i32, i32
  }
  func.func @transform_4(%arg0: i32) -> (i32, i32) {
    %c0_i32 = arith.constant 0 : i32
    %c0_i32_0 = arith.constant 0 : i32
    return %arg0, %c0_i32 : i32, i32
  }
  func.func @transform_5(%arg0: i32) -> (i32, i32) {
    %c0_i32 = arith.constant 0 : i32
    %c0_i32_0 = arith.constant 0 : i32
    %c0_i32_1 = arith.constant 0 : i32
    return %c0_i32, %c0_i32_0 : i32, i32
  }
}

module attributes {stable_mosaic.version = 14 : i64} {
  func.func @_mpool_body(%arg0: i32, %arg1: memref<64x32x128xf32, #tpu.memory_space<vmem>>, %arg2: memref<8x128xf32, #tpu.memory_space<vmem>>, %arg3: memref<8x128xf32, #tpu.memory_space<vmem>>, %arg4: memref<64x128xf32, #tpu.memory_space<vmem>>) attributes {dimension_semantics = [#tpu.dimension_semantics<arbitrary>], iteration_bounds = array<i64: 32>, scalar_prefetch = 0 : i64, scratch_operands = 0 : i64, tpu.core_type = #tpu.core_type<tc>, window_params = [{transform_indices = @transform_0, window_bounds = array<i64: 64, 32, 128>}, {pipeline_mode = #tpu.pipeline_mode<synchronous>, transform_indices = @transform_1, window_bounds = array<i64: 8, 128>}, {pipeline_mode = #tpu.pipeline_mode<synchronous>, transform_indices = @transform_2, window_bounds = array<i64: 8, 128>}, {transform_indices = @transform_3, window_bounds = array<i64: 64, 128>}]} {
    %get3A = arith.constant 0 : index
    %get3A_0 = arith.constant 0 : index
    %get3A_1 = vector.load %arg2[%get3A, %get3A_0] : memref<8x128xf32, #tpu.memory_space<vmem>>, vector<8x128xf32>
    %get3A_2 = arith.constant 0 : index
    %get3A_3 = arith.constant 0 : index
    %get3A_4 = vector.load %arg3[%get3A_2, %get3A_3] : memref<8x128xf32, #tpu.memory_space<vmem>>, vector<8x128xf32>
    %slice3A = vector.extract_strided_slice %get3A_1 {offsets = [0, 0], sizes = [1, 128], strides = [1, 1]} : vector<8x128xf32> to vector<1x128xf32>
    %mul3A = arith.constant 1.52587891E-5 : f32
    %mul3A_5 = vector.broadcast %mul3A : f32 to vector<1x128xf32>
    %mul3A_6 = arith.mulf %slice3A, %mul3A_5 : vector<1x128xf32>
    %slice3A_7 = vector.extract_strided_slice %get3A_1 {offsets = [1, 0], sizes = [1, 128], strides = [1, 1]} : vector<8x128xf32> to vector<1x128xf32>
    %mul3A_8 = arith.constant 1.52587891E-5 : f32
    %mul3A_9 = vector.broadcast %mul3A_8 : f32 to vector<1x128xf32>
    %mul3A_10 = arith.mulf %slice3A_7, %mul3A_9 : vector<1x128xf32>
    %mul3A_11 = arith.mulf %mul3A_6, %mul3A_6 : vector<1x128xf32>
    %sub3A = arith.subf %mul3A_10, %mul3A_11 : vector<1x128xf32>
    %slice3A_12 = vector.extract_strided_slice %get3A_4 {offsets = [0, 0], sizes = [1, 128], strides = [1, 1]} : vector<8x128xf32> to vector<1x128xf32>
    %add3A = arith.constant 9.99999974E-6 : f32
    %add3A_13 = vector.broadcast %add3A : f32 to vector<1x128xf32>
    %add3A_14 = arith.addf %sub3A, %add3A_13 : vector<1x128xf32>
    %sqrt3A = math.sqrt %add3A_14 : vector<1x128xf32>
    %div3A = arith.divf %slice3A_12, %sqrt3A : vector<1x128xf32>
    %slice3A_15 = vector.extract_strided_slice %get3A_4 {offsets = [1, 0], sizes = [1, 128], strides = [1, 1]} : vector<8x128xf32> to vector<1x128xf32>
    %mul3A_16 = arith.mulf %mul3A_6, %div3A : vector<1x128xf32>
    %sub3A_17 = arith.subf %slice3A_15, %mul3A_16 : vector<1x128xf32>
    %get3A_18 = arith.constant 0 : index
    %get3A_19 = arith.constant 0 : index
    %get3A_20 = arith.constant 0 : index
    %get3A_21 = vector.load %arg1[%get3A_18, %get3A_19, %get3A_20] : memref<64x32x128xf32, #tpu.memory_space<vmem>>, vector<64x32x128xf32>
    %broadcast_in_dim3A = vector.shape_cast %div3A : vector<1x128xf32> to vector<1x1x128xf32>
    %mul3A_22 = vector.broadcast %broadcast_in_dim3A : vector<1x1x128xf32> to vector<64x32x128xf32>
    %mul3A_23 = arith.mulf %get3A_21, %mul3A_22 : vector<64x32x128xf32>
    %broadcast_in_dim3A_24 = vector.shape_cast %sub3A_17 : vector<1x128xf32> to vector<1x1x128xf32>
    %add3A_25 = vector.broadcast %broadcast_in_dim3A_24 : vector<1x1x128xf32> to vector<64x32x128xf32>
    %add3A_26 = arith.addf %mul3A_23, %add3A_25 : vector<64x32x128xf32>
    %max3A = arith.constant 0.000000e+00 : f32
    %max3A_27 = vector.broadcast %max3A : f32 to vector<64x32x128xf32>
    %max3A_28 = arith.maximumf %add3A_26, %max3A_27 : vector<64x32x128xf32>
    %reduce_max3A = arith.constant dense<0xFF800000> : vector<64x128xf32>
    %reduce_max3A_29 = vector.multi_reduction <maximumf>, %max3A_28, %reduce_max3A [1] : vector<64x32x128xf32> to vector<64x128xf32>
    %swap3A = arith.constant 0 : index
    %swap3A_30 = arith.constant 0 : index
    %swap3A_31 = vector.load %arg4[%swap3A, %swap3A_30] : memref<64x128xf32, #tpu.memory_space<vmem>>, vector<64x128xf32>
    tpu.vector_store %arg4[%swap3A, %swap3A_30], %reduce_max3A_29 {strides = array<i32>} : memref<64x128xf32, #tpu.memory_space<vmem>>, vector<64x128xf32>,
    return
  }
  func.func @transform_0(%arg0: i32) -> (i32, i32, i32) {
    %c0_i32 = arith.constant 0 : i32
    %c0_i32_0 = arith.constant 0 : i32
    %c0_i32_1 = arith.constant 0 : i32
    return %arg0, %c0_i32, %c0_i32_0 : i32, i32, i32
  }
  func.func @transform_1(%arg0: i32) -> (i32, i32) {
    %c0_i32 = arith.constant 0 : i32
    %c0_i32_0 = arith.constant 0 : i32
    %c0_i32_1 = arith.constant 0 : i32
    return %c0_i32, %c0_i32_0 : i32, i32
  }
  func.func @transform_2(%arg0: i32) -> (i32, i32) {
    %c0_i32 = arith.constant 0 : i32
    %c0_i32_0 = arith.constant 0 : i32
    %c0_i32_1 = arith.constant 0 : i32
    return %c0_i32, %c0_i32_0 : i32, i32
  }
  func.func @transform_3(%arg0: i32) -> (i32, i32) {
    %c0_i32 = arith.constant 0 : i32
    %c0_i32_0 = arith.constant 0 : i32
    return %arg0, %c0_i32 : i32, i32
  }
}

module attributes {stable_mosaic.version = 14 : i64} {
  func.func @_mmid_body(%arg0: i32, %arg1: memref<1024x64xf32, #tpu.memory_space<vmem>>, %arg2: memref<8x64xf32, #tpu.memory_space<vmem>>, %arg3: memref<8x64xf32, #tpu.memory_space<vmem>>, %arg4: memref<64x96xf32, #tpu.memory_space<vmem>>, %arg5: memref<1024x96xf32, #tpu.memory_space<vmem>>, %arg6: memref<8x96xf32, #tpu.memory_space<vmem>>) attributes {dimension_semantics = [#tpu.dimension_semantics<arbitrary>], iteration_bounds = array<i64: 128>, scalar_prefetch = 0 : i64, scratch_operands = 0 : i64, tpu.core_type = #tpu.core_type<tc>, window_params = [{transform_indices = @transform_0, window_bounds = array<i64: 1024, 64>}, {pipeline_mode = #tpu.pipeline_mode<synchronous>, transform_indices = @transform_1, window_bounds = array<i64: 8, 64>}, {pipeline_mode = #tpu.pipeline_mode<synchronous>, transform_indices = @transform_2, window_bounds = array<i64: 8, 64>}, {pipeline_mode = #tpu.pipeline_mode<synchronous>, transform_indices = @transform_3, window_bounds = array<i64: 64, 96>}, {transform_indices = @transform_4, window_bounds = array<i64: 1024, 96>}, {pipeline_mode = #tpu.pipeline_mode<synchronous>, transform_indices = @transform_5, window_bounds = array<i64: 8, 96>}]} {
    %get3A = arith.constant 0 : index
    %get3A_0 = arith.constant 0 : index
    %get3A_1 = vector.load %arg2[%get3A, %get3A_0] : memref<8x64xf32, #tpu.memory_space<vmem>>, vector<8x64xf32>
    %get3A_2 = arith.constant 0 : index
    %get3A_3 = arith.constant 0 : index
    %get3A_4 = vector.load %arg3[%get3A_2, %get3A_3] : memref<8x64xf32, #tpu.memory_space<vmem>>, vector<8x64xf32>
    %slice3A = vector.extract_strided_slice %get3A_1 {offsets = [0, 0], sizes = [1, 64], strides = [1, 1]} : vector<8x64xf32> to vector<1x64xf32>
    %mul3A = arith.constant 7.62939453E-6 : f32
    %mul3A_5 = vector.broadcast %mul3A : f32 to vector<1x64xf32>
    %mul3A_6 = arith.mulf %slice3A, %mul3A_5 : vector<1x64xf32>
    %slice3A_7 = vector.extract_strided_slice %get3A_1 {offsets = [1, 0], sizes = [1, 64], strides = [1, 1]} : vector<8x64xf32> to vector<1x64xf32>
    %mul3A_8 = arith.constant 7.62939453E-6 : f32
    %mul3A_9 = vector.broadcast %mul3A_8 : f32 to vector<1x64xf32>
    %mul3A_10 = arith.mulf %slice3A_7, %mul3A_9 : vector<1x64xf32>
    %mul3A_11 = arith.mulf %mul3A_6, %mul3A_6 : vector<1x64xf32>
    %sub3A = arith.subf %mul3A_10, %mul3A_11 : vector<1x64xf32>
    %slice3A_12 = vector.extract_strided_slice %get3A_4 {offsets = [0, 0], sizes = [1, 64], strides = [1, 1]} : vector<8x64xf32> to vector<1x64xf32>
    %add3A = arith.constant 9.99999974E-6 : f32
    %add3A_13 = vector.broadcast %add3A : f32 to vector<1x64xf32>
    %add3A_14 = arith.addf %sub3A, %add3A_13 : vector<1x64xf32>
    %sqrt3A = math.sqrt %add3A_14 : vector<1x64xf32>
    %div3A = arith.divf %slice3A_12, %sqrt3A : vector<1x64xf32>
    %slice3A_15 = vector.extract_strided_slice %get3A_4 {offsets = [1, 0], sizes = [1, 64], strides = [1, 1]} : vector<8x64xf32> to vector<1x64xf32>
    %mul3A_16 = arith.mulf %mul3A_6, %div3A : vector<1x64xf32>
    %sub3A_17 = arith.subf %slice3A_15, %mul3A_16 : vector<1x64xf32>
    %get3A_18 = arith.constant 0 : index
    %get3A_19 = arith.constant 0 : index
    %get3A_20 = vector.load %arg1[%get3A_18, %get3A_19] : memref<1024x64xf32, #tpu.memory_space<vmem>>, vector<1024x64xf32>
    %mul3A_21 = vector.broadcast %div3A : vector<1x64xf32> to vector<1024x64xf32>
    %mul3A_22 = arith.mulf %get3A_20, %mul3A_21 : vector<1024x64xf32>
    %add3A_23 = vector.broadcast %sub3A_17 : vector<1x64xf32> to vector<1024x64xf32>
    %add3A_24 = arith.addf %mul3A_22, %add3A_23 : vector<1024x64xf32>
    %max3A = arith.constant 0.000000e+00 : f32
    %max3A_25 = vector.broadcast %max3A : f32 to vector<1024x64xf32>
    %max3A_26 = arith.maximumf %add3A_24, %max3A_25 : vector<1024x64xf32>
    %get3A_27 = arith.constant 0 : index
    %get3A_28 = arith.constant 0 : index
    %get3A_29 = vector.load %arg4[%get3A_27, %get3A_28] : memref<64x96xf32, #tpu.memory_space<vmem>>, vector<64x96xf32>
    %dot_general3A = arith.constant dense<0.000000e+00> : vector<1024x96xf32>
    %dot_general3A_30 = tpu.matmul %max3A_26, %get3A_29, %dot_general3A {dimension_numbers = #tpu.dot_dimension_numbers<[1], [0], [0], [1], [0, 0, 1, 1], [], []>, transpose_lhs_hint = false} : vector<1024x64xf32>, vector<64x96xf32>, vector<1024x96xf32> -> vector<1024x96xf32>
    %swap3A = arith.constant 0 : index
    %swap3A_31 = arith.constant 0 : index
    %swap3A_32 = vector.load %arg5[%swap3A, %swap3A_31] : memref<1024x96xf32, #tpu.memory_space<vmem>>, vector<1024x96xf32>
    tpu.vector_store %arg5[%swap3A, %swap3A_31], %dot_general3A_30 {strides = array<i32>} : memref<1024x96xf32, #tpu.memory_space<vmem>>, vector<1024x96xf32>,
    %eq3A = arith.constant 0 : i32
    %eq3A_33 = arith.cmpi eq, %arg0, %eq3A : i32
    %convert_element_type3A = arith.extui %eq3A_33 : i1 to i32
    %cond3A = arith.constant 0 : i32
    %cond3A_34 = arith.cmpi ne, %convert_element_type3A, %cond3A : i32
    scf.if %cond3A_34 {
      %broadcast_in_dim3A_49 = arith.constant 0.000000e+00 : f32
      %broadcast_in_dim3A_50 = vector.broadcast %broadcast_in_dim3A_49 : f32 to vector<8x96xf32>
      %swap3A_51 = arith.constant 0 : index
      %swap3A_52 = arith.constant 0 : index
      %swap3A_53 = vector.load %arg6[%swap3A_51, %swap3A_52] : memref<8x96xf32, #tpu.memory_space<vmem>>, vector<8x96xf32>
      tpu.vector_store %arg6[%swap3A_51, %swap3A_52], %broadcast_in_dim3A_50 {strides = array<i32>} : memref<8x96xf32, #tpu.memory_space<vmem>>, vector<8x96xf32>,
    } else {
    }
    %reduce_sum3A = arith.constant dense<0.000000e+00> : vector<96xf32>
    %reduce_sum3A_35 = vector.multi_reduction <add>, %dot_general3A_30, %reduce_sum3A [0] : vector<1024x96xf32> to vector<96xf32>
    %broadcast_in_dim3A = vector.shape_cast %reduce_sum3A_35 : vector<96xf32> to vector<1x96xf32>
    %mul3A_36 = arith.mulf %dot_general3A_30, %dot_general3A_30 : vector<1024x96xf32>
    %reduce_sum3A_37 = arith.constant dense<0.000000e+00> : vector<96xf32>
    %reduce_sum3A_38 = vector.multi_reduction <add>, %mul3A_36, %reduce_sum3A_37 [0] : vector<1024x96xf32> to vector<96xf32>
    %broadcast_in_dim3A_39 = vector.shape_cast %reduce_sum3A_38 : vector<96xf32> to vector<1x96xf32>
    %get3A_40 = arith.constant 0 : index
    %get3A_41 = arith.constant 0 : index
    %get3A_42 = vector.load %arg6[%get3A_40, %get3A_41] : memref<8x96xf32, #tpu.memory_space<vmem>>, vector<8x96xf32>
    %broadcast_in_dim3A_43 = arith.constant 0.000000e+00 : f32
    %broadcast_in_dim3A_44 = vector.broadcast %broadcast_in_dim3A_43 : f32 to vector<6x96xf32>
    %concatenate3A = tpu.concatenate %broadcast_in_dim3A, %broadcast_in_dim3A_39, %broadcast_in_dim3A_44 in 0 : vector<1x96xf32>, vector<1x96xf32>, vector<6x96xf32> -> vector<8x96xf32>
    %add3A_45 = arith.addf %get3A_42, %concatenate3A : vector<8x96xf32>
    %swap3A_46 = arith.constant 0 : index
    %swap3A_47 = arith.constant 0 : index
    %swap3A_48 = vector.load %arg6[%swap3A_46, %swap3A_47] : memref<8x96xf32, #tpu.memory_space<vmem>>, vector<8x96xf32>
    tpu.vector_store %arg6[%swap3A_46, %swap3A_47], %add3A_45 {strides = array<i32>} : memref<8x96xf32, #tpu.memory_space<vmem>>, vector<8x96xf32>,
    return
  }
  func.func @transform_0(%arg0: i32) -> (i32, i32) {
    %c0_i32 = arith.constant 0 : i32
    %c0_i32_0 = arith.constant 0 : i32
    return %arg0, %c0_i32 : i32, i32
  }
  func.func @transform_1(%arg0: i32) -> (i32, i32) {
    %c0_i32 = arith.constant 0 : i32
    %c0_i32_0 = arith.constant 0 : i32
    %c0_i32_1 = arith.constant 0 : i32
    return %c0_i32, %c0_i32_0 : i32, i32
  }
  func.func @transform_2(%arg0: i32) -> (i32, i32) {
    %c0_i32 = arith.constant 0 : i32
    %c0_i32_0 = arith.constant 0 : i32
    %c0_i32_1 = arith.constant 0 : i32
    return %c0_i32, %c0_i32_0 : i32, i32
  }
  func.func @transform_3(%arg0: i32) -> (i32, i32) {
    %c0_i32 = arith.constant 0 : i32
    %c0_i32_0 = arith.constant 0 : i32
    %c0_i32_1 = arith.constant 0 : i32
    return %c0_i32, %c0_i32_0 : i32, i32
  }
  func.func @transform_4(%arg0: i32) -> (i32, i32) {
    %c0_i32 = arith.constant 0 : i32
    %c0_i32_0 = arith.constant 0 : i32
    return %arg0, %c0_i32 : i32, i32
  }
  func.func @transform_5(%arg0: i32) -> (i32, i32) {
    %c0_i32 = arith.constant 0 : i32
    %c0_i32_0 = arith.constant 0 : i32
    %c0_i32_1 = arith.constant 0 : i32
    return %c0_i32, %c0_i32_0 : i32, i32
  }
}

module attributes {stable_mosaic.version = 14 : i64} {
  func.func @_m1_body(%arg0: i32, %arg1: memref<1024x128xf32, #tpu.memory_space<vmem>>, %arg2: memref<1024x128xf32, #tpu.memory_space<vmem>>, %arg3: memref<128x64xf32, #tpu.memory_space<vmem>>, %arg4: memref<1024x64xf32, #tpu.memory_space<vmem>>, %arg5: memref<8x64xf32, #tpu.memory_space<vmem>>) attributes {dimension_semantics = [#tpu.dimension_semantics<arbitrary>], iteration_bounds = array<i64: 128>, scalar_prefetch = 0 : i64, scratch_operands = 0 : i64, tpu.core_type = #tpu.core_type<tc>, window_params = [{transform_indices = @transform_0, window_bounds = array<i64: 1024, 128>}, {transform_indices = @transform_1, window_bounds = array<i64: 1024, 128>}, {pipeline_mode = #tpu.pipeline_mode<synchronous>, transform_indices = @transform_2, window_bounds = array<i64: 128, 64>}, {transform_indices = @transform_3, window_bounds = array<i64: 1024, 64>}, {pipeline_mode = #tpu.pipeline_mode<synchronous>, transform_indices = @transform_4, window_bounds = array<i64: 8, 64>}]} {
    %get3A = arith.constant 0 : index
    %get3A_0 = arith.constant 0 : index
    %get3A_1 = vector.load %arg1[%get3A, %get3A_0] : memref<1024x128xf32, #tpu.memory_space<vmem>>, vector<1024x128xf32>
    %get3A_2 = arith.constant 0 : index
    %get3A_3 = arith.constant 0 : index
    %get3A_4 = vector.load %arg2[%get3A_2, %get3A_3] : memref<1024x128xf32, #tpu.memory_space<vmem>>, vector<1024x128xf32>
    %sub3A = arith.subf %get3A_1, %get3A_4 : vector<1024x128xf32>
    %get3A_5 = arith.constant 0 : index
    %get3A_6 = arith.constant 0 : index
    %get3A_7 = vector.load %arg3[%get3A_5, %get3A_6] : memref<128x64xf32, #tpu.memory_space<vmem>>, vector<128x64xf32>
    %dot_general3A = arith.constant dense<0.000000e+00> : vector<1024x64xf32>
    %dot_general3A_8 = tpu.matmul %sub3A, %get3A_7, %dot_general3A {dimension_numbers = #tpu.dot_dimension_numbers<[1], [0], [0], [1], [0, 0, 1, 1], [], []>, transpose_lhs_hint = false} : vector<1024x128xf32>, vector<128x64xf32>, vector<1024x64xf32> -> vector<1024x64xf32>
    %swap3A = arith.constant 0 : index
    %swap3A_9 = arith.constant 0 : index
    %swap3A_10 = vector.load %arg4[%swap3A, %swap3A_9] : memref<1024x64xf32, #tpu.memory_space<vmem>>, vector<1024x64xf32>
    tpu.vector_store %arg4[%swap3A, %swap3A_9], %dot_general3A_8 {strides = array<i32>} : memref<1024x64xf32, #tpu.memory_space<vmem>>, vector<1024x64xf32>,
    %eq3A = arith.constant 0 : i32
    %eq3A_11 = arith.cmpi eq, %arg0, %eq3A : i32
    %convert_element_type3A = arith.extui %eq3A_11 : i1 to i32
    %cond3A = arith.constant 0 : i32
    %cond3A_12 = arith.cmpi ne, %convert_element_type3A, %cond3A : i32
    scf.if %cond3A_12 {
      %broadcast_in_dim3A_25 = arith.constant 0.000000e+00 : f32
      %broadcast_in_dim3A_26 = vector.broadcast %broadcast_in_dim3A_25 : f32 to vector<8x64xf32>
      %swap3A_27 = arith.constant 0 : index
      %swap3A_28 = arith.constant 0 : index
      %swap3A_29 = vector.load %arg5[%swap3A_27, %swap3A_28] : memref<8x64xf32, #tpu.memory_space<vmem>>, vector<8x64xf32>
      tpu.vector_store %arg5[%swap3A_27, %swap3A_28], %broadcast_in_dim3A_26 {strides = array<i32>} : memref<8x64xf32, #tpu.memory_space<vmem>>, vector<8x64xf32>,
    } else {
    }
    %reduce_sum3A = arith.constant dense<0.000000e+00> : vector<64xf32>
    %reduce_sum3A_13 = vector.multi_reduction <add>, %dot_general3A_8, %reduce_sum3A [0] : vector<1024x64xf32> to vector<64xf32>
    %broadcast_in_dim3A = vector.shape_cast %reduce_sum3A_13 : vector<64xf32> to vector<1x64xf32>
    %mul3A = arith.mulf %dot_general3A_8, %dot_general3A_8 : vector<1024x64xf32>
    %reduce_sum3A_14 = arith.constant dense<0.000000e+00> : vector<64xf32>
    %reduce_sum3A_15 = vector.multi_reduction <add>, %mul3A, %reduce_sum3A_14 [0] : vector<1024x64xf32> to vector<64xf32>
    %broadcast_in_dim3A_16 = vector.shape_cast %reduce_sum3A_15 : vector<64xf32> to vector<1x64xf32>
    %get3A_17 = arith.constant 0 : index
    %get3A_18 = arith.constant 0 : index
    %get3A_19 = vector.load %arg5[%get3A_17, %get3A_18] : memref<8x64xf32, #tpu.memory_space<vmem>>, vector<8x64xf32>
    %broadcast_in_dim3A_20 = arith.constant 0.000000e+00 : f32
    %broadcast_in_dim3A_21 = vector.broadcast %broadcast_in_dim3A_20 : f32 to vector<6x64xf32>
    %concatenate3A = tpu.concatenate %broadcast_in_dim3A, %broadcast_in_dim3A_16, %broadcast_in_dim3A_21 in 0 : vector<1x64xf32>, vector<1x64xf32>, vector<6x64xf32> -> vector<8x64xf32>
    %add3A = arith.addf %get3A_19, %concatenate3A : vector<8x64xf32>
    %swap3A_22 = arith.constant 0 : index
    %swap3A_23 = arith.constant 0 : index
    %swap3A_24 = vector.load %arg5[%swap3A_22, %swap3A_23] : memref<8x64xf32, #tpu.memory_space<vmem>>, vector<8x64xf32>
    tpu.vector_store %arg5[%swap3A_22, %swap3A_23], %add3A {strides = array<i32>} : memref<8x64xf32, #tpu.memory_space<vmem>>, vector<8x64xf32>,
    return
  }
  func.func @transform_0(%arg0: i32) -> (i32, i32) {
    %c0_i32 = arith.constant 0 : i32
    %c0_i32_0 = arith.constant 0 : i32
    return %arg0, %c0_i32 : i32, i32
  }
  func.func @transform_1(%arg0: i32) -> (i32, i32) {
    %c0_i32 = arith.constant 0 : i32
    %c0_i32_0 = arith.constant 0 : i32
    return %arg0, %c0_i32 : i32, i32
  }
  func.func @transform_2(%arg0: i32) -> (i32, i32) {
    %c0_i32 = arith.constant 0 : i32
    %c0_i32_0 = arith.constant 0 : i32
    %c0_i32_1 = arith.constant 0 : i32
    return %c0_i32, %c0_i32_0 : i32, i32
  }
  func.func @transform_3(%arg0: i32) -> (i32, i32) {
    %c0_i32 = arith.constant 0 : i32
    %c0_i32_0 = arith.constant 0 : i32
    return %arg0, %c0_i32 : i32, i32
  }
  func.func @transform_4(%arg0: i32) -> (i32, i32) {
    %c0_i32 = arith.constant 0 : i32
    %c0_i32_0 = arith.constant 0 : i32
    %c0_i32_1 = arith.constant 0 : i32
    return %c0_i32, %c0_i32_0 : i32, i32
  }
}

module attributes {stable_mosaic.version = 14 : i64} {
  func.func @_mmid_body(%arg0: i32, %arg1: memref<1024x96xf32, #tpu.memory_space<vmem>>, %arg2: memref<8x96xf32, #tpu.memory_space<vmem>>, %arg3: memref<8x96xf32, #tpu.memory_space<vmem>>, %arg4: memref<96x128xf32, #tpu.memory_space<vmem>>, %arg5: memref<1024x128xf32, #tpu.memory_space<vmem>>, %arg6: memref<8x128xf32, #tpu.memory_space<vmem>>) attributes {dimension_semantics = [#tpu.dimension_semantics<arbitrary>], iteration_bounds = array<i64: 128>, scalar_prefetch = 0 : i64, scratch_operands = 0 : i64, tpu.core_type = #tpu.core_type<tc>, window_params = [{transform_indices = @transform_0, window_bounds = array<i64: 1024, 96>}, {pipeline_mode = #tpu.pipeline_mode<synchronous>, transform_indices = @transform_1, window_bounds = array<i64: 8, 96>}, {pipeline_mode = #tpu.pipeline_mode<synchronous>, transform_indices = @transform_2, window_bounds = array<i64: 8, 96>}, {pipeline_mode = #tpu.pipeline_mode<synchronous>, transform_indices = @transform_3, window_bounds = array<i64: 96, 128>}, {transform_indices = @transform_4, window_bounds = array<i64: 1024, 128>}, {pipeline_mode = #tpu.pipeline_mode<synchronous>, transform_indices = @transform_5, window_bounds = array<i64: 8, 128>}]} {
    %get3A = arith.constant 0 : index
    %get3A_0 = arith.constant 0 : index
    %get3A_1 = vector.load %arg2[%get3A, %get3A_0] : memref<8x96xf32, #tpu.memory_space<vmem>>, vector<8x96xf32>
    %get3A_2 = arith.constant 0 : index
    %get3A_3 = arith.constant 0 : index
    %get3A_4 = vector.load %arg3[%get3A_2, %get3A_3] : memref<8x96xf32, #tpu.memory_space<vmem>>, vector<8x96xf32>
    %slice3A = vector.extract_strided_slice %get3A_1 {offsets = [0, 0], sizes = [1, 96], strides = [1, 1]} : vector<8x96xf32> to vector<1x96xf32>
    %mul3A = arith.constant 7.62939453E-6 : f32
    %mul3A_5 = vector.broadcast %mul3A : f32 to vector<1x96xf32>
    %mul3A_6 = arith.mulf %slice3A, %mul3A_5 : vector<1x96xf32>
    %slice3A_7 = vector.extract_strided_slice %get3A_1 {offsets = [1, 0], sizes = [1, 96], strides = [1, 1]} : vector<8x96xf32> to vector<1x96xf32>
    %mul3A_8 = arith.constant 7.62939453E-6 : f32
    %mul3A_9 = vector.broadcast %mul3A_8 : f32 to vector<1x96xf32>
    %mul3A_10 = arith.mulf %slice3A_7, %mul3A_9 : vector<1x96xf32>
    %mul3A_11 = arith.mulf %mul3A_6, %mul3A_6 : vector<1x96xf32>
    %sub3A = arith.subf %mul3A_10, %mul3A_11 : vector<1x96xf32>
    %slice3A_12 = vector.extract_strided_slice %get3A_4 {offsets = [0, 0], sizes = [1, 96], strides = [1, 1]} : vector<8x96xf32> to vector<1x96xf32>
    %add3A = arith.constant 9.99999974E-6 : f32
    %add3A_13 = vector.broadcast %add3A : f32 to vector<1x96xf32>
    %add3A_14 = arith.addf %sub3A, %add3A_13 : vector<1x96xf32>
    %sqrt3A = math.sqrt %add3A_14 : vector<1x96xf32>
    %div3A = arith.divf %slice3A_12, %sqrt3A : vector<1x96xf32>
    %slice3A_15 = vector.extract_strided_slice %get3A_4 {offsets = [1, 0], sizes = [1, 96], strides = [1, 1]} : vector<8x96xf32> to vector<1x96xf32>
    %mul3A_16 = arith.mulf %mul3A_6, %div3A : vector<1x96xf32>
    %sub3A_17 = arith.subf %slice3A_15, %mul3A_16 : vector<1x96xf32>
    %get3A_18 = arith.constant 0 : index
    %get3A_19 = arith.constant 0 : index
    %get3A_20 = vector.load %arg1[%get3A_18, %get3A_19] : memref<1024x96xf32, #tpu.memory_space<vmem>>, vector<1024x96xf32>
    %mul3A_21 = vector.broadcast %div3A : vector<1x96xf32> to vector<1024x96xf32>
    %mul3A_22 = arith.mulf %get3A_20, %mul3A_21 : vector<1024x96xf32>
    %add3A_23 = vector.broadcast %sub3A_17 : vector<1x96xf32> to vector<1024x96xf32>
    %add3A_24 = arith.addf %mul3A_22, %add3A_23 : vector<1024x96xf32>
    %max3A = arith.constant 0.000000e+00 : f32
    %max3A_25 = vector.broadcast %max3A : f32 to vector<1024x96xf32>
    %max3A_26 = arith.maximumf %add3A_24, %max3A_25 : vector<1024x96xf32>
    %get3A_27 = arith.constant 0 : index
    %get3A_28 = arith.constant 0 : index
    %get3A_29 = vector.load %arg4[%get3A_27, %get3A_28] : memref<96x128xf32, #tpu.memory_space<vmem>>, vector<96x128xf32>
    %dot_general3A = arith.constant dense<0.000000e+00> : vector<1024x128xf32>
    %dot_general3A_30 = tpu.matmul %max3A_26, %get3A_29, %dot_general3A {dimension_numbers = #tpu.dot_dimension_numbers<[1], [0], [0], [1], [0, 0, 1, 1], [], []>, transpose_lhs_hint = false} : vector<1024x96xf32>, vector<96x128xf32>, vector<1024x128xf32> -> vector<1024x128xf32>
    %swap3A = arith.constant 0 : index
    %swap3A_31 = arith.constant 0 : index
    %swap3A_32 = vector.load %arg5[%swap3A, %swap3A_31] : memref<1024x128xf32, #tpu.memory_space<vmem>>, vector<1024x128xf32>
    tpu.vector_store %arg5[%swap3A, %swap3A_31], %dot_general3A_30 {strides = array<i32>} : memref<1024x128xf32, #tpu.memory_space<vmem>>, vector<1024x128xf32>,
    %eq3A = arith.constant 0 : i32
    %eq3A_33 = arith.cmpi eq, %arg0, %eq3A : i32
    %convert_element_type3A = arith.extui %eq3A_33 : i1 to i32
    %cond3A = arith.constant 0 : i32
    %cond3A_34 = arith.cmpi ne, %convert_element_type3A, %cond3A : i32
    scf.if %cond3A_34 {
      %broadcast_in_dim3A_49 = arith.constant 0.000000e+00 : f32
      %broadcast_in_dim3A_50 = vector.broadcast %broadcast_in_dim3A_49 : f32 to vector<8x128xf32>
      %swap3A_51 = arith.constant 0 : index
      %swap3A_52 = arith.constant 0 : index
      %swap3A_53 = vector.load %arg6[%swap3A_51, %swap3A_52] : memref<8x128xf32, #tpu.memory_space<vmem>>, vector<8x128xf32>
      tpu.vector_store %arg6[%swap3A_51, %swap3A_52], %broadcast_in_dim3A_50 {strides = array<i32>} : memref<8x128xf32, #tpu.memory_space<vmem>>, vector<8x128xf32>,
    } else {
    }
    %reduce_sum3A = arith.constant dense<0.000000e+00> : vector<128xf32>
    %reduce_sum3A_35 = vector.multi_reduction <add>, %dot_general3A_30, %reduce_sum3A [0] : vector<1024x128xf32> to vector<128xf32>
    %broadcast_in_dim3A = vector.shape_cast %reduce_sum3A_35 : vector<128xf32> to vector<1x128xf32>
    %mul3A_36 = arith.mulf %dot_general3A_30, %dot_general3A_30 : vector<1024x128xf32>
    %reduce_sum3A_37 = arith.constant dense<0.000000e+00> : vector<128xf32>
    %reduce_sum3A_38 = vector.multi_reduction <add>, %mul3A_36, %reduce_sum3A_37 [0] : vector<1024x128xf32> to vector<128xf32>
    %broadcast_in_dim3A_39 = vector.shape_cast %reduce_sum3A_38 : vector<128xf32> to vector<1x128xf32>
    %get3A_40 = arith.constant 0 : index
    %get3A_41 = arith.constant 0 : index
    %get3A_42 = vector.load %arg6[%get3A_40, %get3A_41] : memref<8x128xf32, #tpu.memory_space<vmem>>, vector<8x128xf32>
    %broadcast_in_dim3A_43 = arith.constant 0.000000e+00 : f32
    %broadcast_in_dim3A_44 = vector.broadcast %broadcast_in_dim3A_43 : f32 to vector<6x128xf32>
    %concatenate3A = tpu.concatenate %broadcast_in_dim3A, %broadcast_in_dim3A_39, %broadcast_in_dim3A_44 in 0 : vector<1x128xf32>, vector<1x128xf32>, vector<6x128xf32> -> vector<8x128xf32>
    %add3A_45 = arith.addf %get3A_42, %concatenate3A : vector<8x128xf32>
    %swap3A_46 = arith.constant 0 : index
    %swap3A_47 = arith.constant 0 : index
    %swap3A_48 = vector.load %arg6[%swap3A_46, %swap3A_47] : memref<8x128xf32, #tpu.memory_space<vmem>>, vector<8x128xf32>
    tpu.vector_store %arg6[%swap3A_46, %swap3A_47], %add3A_45 {strides = array<i32>} : memref<8x128xf32, #tpu.memory_space<vmem>>, vector<8x128xf32>,
    return
  }
  func.func @transform_0(%arg0: i32) -> (i32, i32) {
    %c0_i32 = arith.constant 0 : i32
    %c0_i32_0 = arith.constant 0 : i32
    return %arg0, %c0_i32 : i32, i32
  }
  func.func @transform_1(%arg0: i32) -> (i32, i32) {
    %c0_i32 = arith.constant 0 : i32
    %c0_i32_0 = arith.constant 0 : i32
    %c0_i32_1 = arith.constant 0 : i32
    return %c0_i32, %c0_i32_0 : i32, i32
  }
  func.func @transform_2(%arg0: i32) -> (i32, i32) {
    %c0_i32 = arith.constant 0 : i32
    %c0_i32_0 = arith.constant 0 : i32
    %c0_i32_1 = arith.constant 0 : i32
    return %c0_i32, %c0_i32_0 : i32, i32
  }
  func.func @transform_3(%arg0: i32) -> (i32, i32) {
    %c0_i32 = arith.constant 0 : i32
    %c0_i32_0 = arith.constant 0 : i32
    %c0_i32_1 = arith.constant 0 : i32
    return %c0_i32, %c0_i32_0 : i32, i32
  }
  func.func @transform_4(%arg0: i32) -> (i32, i32) {
    %c0_i32 = arith.constant 0 : i32
    %c0_i32_0 = arith.constant 0 : i32
    return %arg0, %c0_i32 : i32, i32
  }
  func.func @transform_5(%arg0: i32) -> (i32, i32) {
    %c0_i32 = arith.constant 0 : i32
    %c0_i32_0 = arith.constant 0 : i32
    %c0_i32_1 = arith.constant 0 : i32
    return %c0_i32, %c0_i32_0 : i32, i32
  }
}

module attributes {stable_mosaic.version = 14 : i64} {
  func.func @_mpool_body(%arg0: i32, %arg1: memref<64x64x128xf32, #tpu.memory_space<vmem>>, %arg2: memref<8x128xf32, #tpu.memory_space<vmem>>, %arg3: memref<8x128xf32, #tpu.memory_space<vmem>>, %arg4: memref<64x128xf32, #tpu.memory_space<vmem>>) attributes {dimension_semantics = [#tpu.dimension_semantics<arbitrary>], iteration_bounds = array<i64: 32>, scalar_prefetch = 0 : i64, scratch_operands = 0 : i64, tpu.core_type = #tpu.core_type<tc>, window_params = [{transform_indices = @transform_0, window_bounds = array<i64: 64, 64, 128>}, {pipeline_mode = #tpu.pipeline_mode<synchronous>, transform_indices = @transform_1, window_bounds = array<i64: 8, 128>}, {pipeline_mode = #tpu.pipeline_mode<synchronous>, transform_indices = @transform_2, window_bounds = array<i64: 8, 128>}, {transform_indices = @transform_3, window_bounds = array<i64: 64, 128>}]} {
    %get3A = arith.constant 0 : index
    %get3A_0 = arith.constant 0 : index
    %get3A_1 = vector.load %arg2[%get3A, %get3A_0] : memref<8x128xf32, #tpu.memory_space<vmem>>, vector<8x128xf32>
    %get3A_2 = arith.constant 0 : index
    %get3A_3 = arith.constant 0 : index
    %get3A_4 = vector.load %arg3[%get3A_2, %get3A_3] : memref<8x128xf32, #tpu.memory_space<vmem>>, vector<8x128xf32>
    %slice3A = vector.extract_strided_slice %get3A_1 {offsets = [0, 0], sizes = [1, 128], strides = [1, 1]} : vector<8x128xf32> to vector<1x128xf32>
    %mul3A = arith.constant 7.62939453E-6 : f32
    %mul3A_5 = vector.broadcast %mul3A : f32 to vector<1x128xf32>
    %mul3A_6 = arith.mulf %slice3A, %mul3A_5 : vector<1x128xf32>
    %slice3A_7 = vector.extract_strided_slice %get3A_1 {offsets = [1, 0], sizes = [1, 128], strides = [1, 1]} : vector<8x128xf32> to vector<1x128xf32>
    %mul3A_8 = arith.constant 7.62939453E-6 : f32
    %mul3A_9 = vector.broadcast %mul3A_8 : f32 to vector<1x128xf32>
    %mul3A_10 = arith.mulf %slice3A_7, %mul3A_9 : vector<1x128xf32>
    %mul3A_11 = arith.mulf %mul3A_6, %mul3A_6 : vector<1x128xf32>
    %sub3A = arith.subf %mul3A_10, %mul3A_11 : vector<1x128xf32>
    %slice3A_12 = vector.extract_strided_slice %get3A_4 {offsets = [0, 0], sizes = [1, 128], strides = [1, 1]} : vector<8x128xf32> to vector<1x128xf32>
    %add3A = arith.constant 9.99999974E-6 : f32
    %add3A_13 = vector.broadcast %add3A : f32 to vector<1x128xf32>
    %add3A_14 = arith.addf %sub3A, %add3A_13 : vector<1x128xf32>
    %sqrt3A = math.sqrt %add3A_14 : vector<1x128xf32>
    %div3A = arith.divf %slice3A_12, %sqrt3A : vector<1x128xf32>
    %slice3A_15 = vector.extract_strided_slice %get3A_4 {offsets = [1, 0], sizes = [1, 128], strides = [1, 1]} : vector<8x128xf32> to vector<1x128xf32>
    %mul3A_16 = arith.mulf %mul3A_6, %div3A : vector<1x128xf32>
    %sub3A_17 = arith.subf %slice3A_15, %mul3A_16 : vector<1x128xf32>
    %get3A_18 = arith.constant 0 : index
    %get3A_19 = arith.constant 0 : index
    %get3A_20 = arith.constant 0 : index
    %get3A_21 = vector.load %arg1[%get3A_18, %get3A_19, %get3A_20] : memref<64x64x128xf32, #tpu.memory_space<vmem>>, vector<64x64x128xf32>
    %broadcast_in_dim3A = vector.shape_cast %div3A : vector<1x128xf32> to vector<1x1x128xf32>
    %mul3A_22 = vector.broadcast %broadcast_in_dim3A : vector<1x1x128xf32> to vector<64x64x128xf32>
    %mul3A_23 = arith.mulf %get3A_21, %mul3A_22 : vector<64x64x128xf32>
    %broadcast_in_dim3A_24 = vector.shape_cast %sub3A_17 : vector<1x128xf32> to vector<1x1x128xf32>
    %add3A_25 = vector.broadcast %broadcast_in_dim3A_24 : vector<1x1x128xf32> to vector<64x64x128xf32>
    %add3A_26 = arith.addf %mul3A_23, %add3A_25 : vector<64x64x128xf32>
    %max3A = arith.constant 0.000000e+00 : f32
    %max3A_27 = vector.broadcast %max3A : f32 to vector<64x64x128xf32>
    %max3A_28 = arith.maximumf %add3A_26, %max3A_27 : vector<64x64x128xf32>
    %reduce_max3A = arith.constant dense<0xFF800000> : vector<64x128xf32>
    %reduce_max3A_29 = vector.multi_reduction <maximumf>, %max3A_28, %reduce_max3A [1] : vector<64x64x128xf32> to vector<64x128xf32>
    %swap3A = arith.constant 0 : index
    %swap3A_30 = arith.constant 0 : index
    %swap3A_31 = vector.load %arg4[%swap3A, %swap3A_30] : memref<64x128xf32, #tpu.memory_space<vmem>>, vector<64x128xf32>
    tpu.vector_store %arg4[%swap3A, %swap3A_30], %reduce_max3A_29 {strides = array<i32>} : memref<64x128xf32, #tpu.memory_space<vmem>>, vector<64x128xf32>,
    return
  }
  func.func @transform_0(%arg0: i32) -> (i32, i32, i32) {
    %c0_i32 = arith.constant 0 : i32
    %c0_i32_0 = arith.constant 0 : i32
    %c0_i32_1 = arith.constant 0 : i32
    return %arg0, %c0_i32, %c0_i32_0 : i32, i32, i32
  }
  func.func @transform_1(%arg0: i32) -> (i32, i32) {
    %c0_i32 = arith.constant 0 : i32
    %c0_i32_0 = arith.constant 0 : i32
    %c0_i32_1 = arith.constant 0 : i32
    return %c0_i32, %c0_i32_0 : i32, i32
  }
  func.func @transform_2(%arg0: i32) -> (i32, i32) {
    %c0_i32 = arith.constant 0 : i32
    %c0_i32_0 = arith.constant 0 : i32
    %c0_i32_1 = arith.constant 0 : i32
    return %c0_i32, %c0_i32_0 : i32, i32
  }
  func.func @transform_3(%arg0: i32) -> (i32, i32) {
    %c0_i32 = arith.constant 0 : i32
    %c0_i32_0 = arith.constant 0 : i32
    return %arg0, %c0_i32 : i32, i32
  }
}

</mosaic_0001>

<sc_bundles>
// kernel: kernel.19.cloned.1.call-start
scs
__scs_entry_jumppad:
0x0: {  	(pc) =	sbr.rel $0x88, $3  }
0x1: {  	(tag) =	ssettag $0x0;
	lr =	simm.s32 $0x1  }
0x2: {  	[smem:$0x3F84] =	sst lr;
	_ =	strace $0xD0000000  }
0x3: {  	_ = 	snop  }
0x4: {  	_ = 	snop  }
0x5: {  	_ = 	snop  }
0x6: {  	_ = 	snop  }
0x7: {  	_ = 	snop  }
__scs_overlays_trampoline_lowered:
0x8: {  	[smem:$0x3F93] =	sst s0  }
0x9: {  	[smem:$0x3F94] =	sst s1  }
0xa: {  	[smem:$0x3F95] =	sst s2  }
0xb: {  	[smem:$0x3F96] =	sst s3  }
0xc: {  	[smem:$0x3F97] =	sst s4  }
0xd: {  	[smem:$0x3F98] =	sst s5  }
0xe: {  	[smem:$0x3F99] =	sst s6  }
0xf: {  	[smem:$0x3F9A] =	sst s7  }
0x10: {  	[smem:$0x3F9B] =	sst s8  }
0x11: {  	[smem:$0x3F9C] =	sst s9;
	s0 =	simm.s32 @!p0 $0x0  }
0x12: {  	s1 =	sld [smem:$0x3F82];
	s0 =	simm.s32 @p0 $0x1  }
0x13: {  	[smem:$0x3F9D] =	sst s0;
	s0 =	simm.s32 @!p1 $0x0  }
0x14: {  	s2 =	sld [smem:$0x3F81];
	s0 =	simm.s32 @p1 $0x1  }
0x15: {  	[smem:$0x3F9E] =	sst s0;
	s0 =	simm.s32 @!p2 $0x0  }
0x16: {  	s3 =	sld [smem:$0x3FDB];
	s0 =	simm.s32 @p2 $0x1  }
0x17: {  	s4 =	simm.s32 $0x1BF5;
	[smem:$0x3FA0] =	sst s0  }
0x18: {  	s0 =	sld [smem:$0x3F83];
	_ =	swait.ge [sflag:s4], $0x0  }
0x19: {  	s7 =	sld [smem:$0x3F84]  }
0x1a: {  	s8 =	sadd.s32 $0xFFFFE003, lr  }
0x1b: {  	s9 =	sadd.s32 $0xFFFFFEF7, lr;
	s5 =	simm.s32 $0xFFFFFFFF;
	p2 =	slt.u32 s8, $0xFFFFF086  }
0x1c: {  	p1 =	slt.u32 s9, $0xF7A;
	s5 =	simm.s32 @!p2 $0x0  }
0x1d: {  	s5 =	simm.s32 @p1 $0x1;
	p0 =	seq.s32 s7, s2  }
0x1e: {  	s7 =	smul.u32 @!p0 $0xF7A, s2;
	p2 =	seq.s32 @!p0 s5, $0x0  }
0x1f: {  	s9 =	smul.u32 $0xF7A, s1;
	s8 =	simm.s32 @!p0 $0x1BF5;
	p2 =	por !p2, p0  }
0x20: {  	[sflag:s8] =	ssyncset.s32 @!p0 $0xFFFFF086;
	s6 =	sadd.s32 @!p0 s3, s7;
	s7 =	simm.s32 @!p0 $0x108  }
0x21: {  	s3 =	sadd.s32 s3, s9;
	s6 =	sadd.s32 @!p0 $0x88, s6;
	s7 =	simm.s32 @p2 $0x1082  }
0x22: {  	[simem:s7], [sflag:s8] =	dma.local @!p0 [hbm:s6], $0xF7A  }
0x23: {  	s9 =	sor.u32 $0xD0000000, s2;
	s6 =	simm.s32 $0x108;
	_ =	swait.ge @!p0 [sflag:s8], $0x0  }
0x24: {  	s3 =	sadd.s32 $0x88, s3;
	s6 =	simm.s32 @!p1 $0x1082;
	[sflag:s4] =	ssyncset.s32 $0xFFFFF086  }
0x25: {  	[simem:s6], [sflag:s4] =	dma.local [hbm:s3], $0xF7A  }
0x26: {  	[smem:$0x3F84] =	sst s1;
	(tag) =	ssettag s2;
	_ =	strace s9  }
0x27: {  	s1 =	sld [smem:$0x3F94]  }
0x28: {  	s2 =	sld [smem:$0x3F95]  }
0x29: {  	s4 =	sld [smem:$0x3F97]  }
0x2a: {  	p0 =	seq.s32 s5, $0x0;
	s5 =	sld [smem:$0x3F98]  }
0x2b: {  	s6 =	sld [smem:$0x3F99]  }
0x2c: {  	s7 =	sld [smem:$0x3F9A]  }
0x2d: {  	s3 =	simm.s32 $0x108;
	s8 =	sld [smem:$0x3F9B]  }
0x2e: {  	s3 =	simm.s32 @!p0 $0x1082;
	s9 =	sld [smem:$0x3F9C]  }
0x2f: {  	lr =	sadd.s32 s0, s3;
	s0 =	sld [smem:$0x3F93]  }
0x30: {  	s3 =	sld [smem:$0x3F96]  }
0x31: {  	[smem:$0x3F9F] =	sst s10  }
0x32: {  	s10 =	sld [smem:$0x3F9D];
	_ =	sdelay $0x3  }
0x33: {  	p0 =	seq.s32 s10, $0x1;
	s10 =	sld [smem:$0x3F9F];
	_ =	sdelay $0x3  }
0x34: {  	[smem:$0x3F9F] =	sst s10  }
0x35: {  	s10 =	sld [smem:$0x3F9E];
	_ =	sdelay $0x3  }
0x36: {  	p1 =	seq.s32 s10, $0x1;
	s10 =	sld [smem:$0x3F9F];
	_ =	sdelay $0x3  }
0x37: {  	[smem:$0x3F9F] =	sst s10  }
0x38: {  	s10 =	sld [smem:$0x3FA0]  }
0x39: {  	_ = 	snop;
	(pc) =	sbr.ind lr, $3  }
0x3a: {  	_ = 	snop  }
0x3b: {  	_ = 	snop  }
0x3c: {  	p2 =	seq.s32 s10, $0x1;
	s10 =	sld [smem:$0x3F9F]  }
0x3d: {  	_ =	shalt  }
0x3e: {  	_ =	shalt  }
0x3f: {  	_ =	shalt  }
0x40: {  	_ =	shalt  }
0x41: {  	_ =	shalt  }
0x42: {  	_ =	shalt  }
0x43: {  	_ =	shalt  }
0x44: {  	_ =	shalt  }
0x45: {  	_ =	shalt  }
0x46: {  	_ =	shalt  }
0x47: {  	_ =	shalt  }
0x48: {  	_ =	shalt  }
0x49: {  	_ =	shalt  }
0x4a: {  	_ =	shalt  }
0x4b: {  	_ =	shalt  }
0x4c: {  	_ =	shalt  }
0x4d: {  	_ =	shalt  }
0x4e: {  	_ =	shalt  }
0x4f: {  	_ =	shalt  }
0x50: {  	_ =	shalt  }
0x51: {  	_ =	shalt  }
0x52: {  	_ =	shalt  }
0x53: {  	_ =	shalt  }
0x54: {  	_ =	shalt  }
0x55: {  	_ =	shalt  }
0x56: {  	_ =	shalt  }
0x57: {  	_ =	shalt  }
0x58: {  	_ =	shalt  }
0x59: {  	_ =	shalt  }
0x5a: {  	_ =	shalt  }
0x5b: {  	_ =	shalt  }
0x5c: {  	_ =	shalt  }
0x5d: {  	_ =	shalt  }
0x5e: {  	_ =	shalt  }
0x5f: {  	_ =	shalt  }
0x60: {  	_ =	shalt  }
0x61: {  	_ =	shalt  }
0x62: {  	_ =	shalt  }
0x63: {  	_ =	shalt  }
0x64: {  	_ =	shalt  }
0x65: {  	_ =	shalt  }
0x66: {  	_ =	shalt  }
0x67: {  	_ =	shalt  }
0x68: {  	_ =	shalt  }
0x69: {  	_ =	shalt  }
0x6a: {  	_ =	shalt  }
0x6b: {  	_ =	shalt  }
0x6c: {  	_ =	shalt  }
0x6d: {  	_ =	shalt  }
0x6e: {  	_ =	shalt  }
0x6f: {  	_ =	shalt  }
0x70: {  	_ =	shalt  }
0x71: {  	_ =	shalt  }
0x72: {  	_ =	shalt  }
0x73: {  	_ =	shalt  }
0x74: {  	_ =	shalt  }
0x75: {  	_ =	shalt  }
0x76: {  	_ =	shalt  }
0x77: {  	_ =	shalt  }
0x78: {  	_ =	shalt  }
0x79: {  	_ =	shalt  }
0x7a: {  	_ =	shalt  }
0x7b: {  	_ =	shalt  }
0x7c: {  	_ =	shalt  }
0x7d: {  	_ =	shalt  }
0x7e: {  	_ =	shalt  }
0x7f: {  	_ =	shalt  }
0x80: {  	_ =	shalt  }
0x81: {  	_ =	shalt  }
0x82: {  	_ =	shalt  }
0x83: {  	_ =	shalt  }
0x84: {  	_ =	shalt  }
0x85: {  	_ =	shalt  }
0x86: {  	_ =	shalt  }
0x87: {  	_ =	shalt  }
.Lfunc_end0:
.L_simem_size_0:
called_computation_lowered:
.L_overlay_start_0:
0x88: {  	s2 =	sld [smem:$0x3FD9]  }
0x89: {  	s3 =	sld [smem:$0x3FFE];
	_ =	sdelay $0x1  }
0x8a: {  	s1 =	srdreg.scid  }
0x8b: {  	s0 =	sand.u32 $0x1, s1  }
0x8c: {  	s16 =	sshll.u32 s0, $0xA;
	s2 =	sadd.s32 s3, s2  }
0x8d: {  	s2 =	sadd.s32 s2, s16  }
0x8e: {  	[smem:$0x3FAB] =	sst s2  }
0x8f: {  	_ = 	snop  }
0x90: {  	(tm) =	ssettm $0x1  }
0x91: {  	s17 =	sld [smem:$0x3FFB];
	_ =	sdelay $0x3  }
0x92: {  	_ =	strace s17  }
0x93: {  	s2 =	sld [smem:$0x3FFC];
	_ =	sdelay $0x3  }
0x94: {  	_ =	strace s2  }
0x95: {  	s2 =	sld [smem:$0x3FFD];
	_ =	sdelay $0x3  }
0x96: {  	_ =	strace s2  }
0x97: {  	_ =	strace $0x8FFFFFFF  }
0x98: {  	s18 =	sld [smem:$0x3FDB];
	_ =	sdelay $0x1  }
0x99: {  	s19 =	simm.s32 $_scs_section_size  }
0x9a: {  	s4 =	simm.s32 $_size__tile_overlayer_lowered;
	s5 =	simm.s32 $_tile_overlayer_lowered  }
0x9b: {  	s22 =	simm.s32 $0x1BFF;
	s21 =	sshll.u32 s5, $0x1;
	s2 =	sadd.s32 s19, s18  }
0x9c: {  	s6 =	simm.s32 $0x0;
	s20 =	sshll.u32 s4, $0x1;
	s4 =	sadd.s32 s21, s2  }
0x9d: {  	[timem:s6], [sflag:s22] =	dma.local [hbm:s4], s20  }
0x9e: {  	_ =	swait.ge [sflag:s22], s20  }
0x9f: {  	s3 =	ssub.s32 $0x0, s20;
	[sflag:s22] =	ssyncset.done $0x0  }
0xa0: {  	[sflag:s22] =	ssyncadd.s32 s3;
	_ =	sdelay $0x1  }
0xa1: {  	s23 =	simm.s32 $0x1B8B  }
0xa2: {  	_ =	swait.ge [sflag:s23], $0x1  }
0xa3: {  	[sflag:s23] =	ssyncset.done $0x0  }
0xa4: {  	s25 =	simm.s32 $0x1B8E;
	s24 =	sld [smem:$0x3FFE];
	[sflag:s23] =	ssyncadd.s32 $0xFFFFFFFF  }
0xa5: {  	s26 =	simm.s32 $execute0_lowered;
	[smem:$0x3FD2] =	sst s25  }
0xa6: {  	s4 =	sshll.u32 s26, $0x1;
	_ =	strace $0x80000046;
	[dreg:$0x1] =	wrdreg $0xFFFFFFFF  }
0xa7: {  	s28 =	simm.s32 $_size_execute0_lowered;
	s2 =	sadd.s32 s2, s4;
	[dreg:$0x0] =	wrdreg $0x0  }
0xa8: {  	s4 =	sshll.u32 s28, $0x1;
	[dreg:$0x2] =	wrdreg s2  }
0xa9: {  	[dreg:$0x3] =	wrdreg s4  }
0xaa: {  	[dreg:$0x4] =	wrdreg $0xC0  }
0xab: {  	_ =	task [dreg:s6], $0x5FFFF  }
0xac: {  	[dreg:$0x1] =	wrdreg $0xFFFFFFFF  }
0xad: {  	[dreg:$0x0] =	wrdreg $0x60  }
0xae: {  	[dreg:$0x2] =	wrdreg s24  }
0xaf: {  	[dreg:$0x3] =	wrdreg $0x9  }
0xb0: {  	_ =	task.clear_ibuf [dreg:s6], $0x4FFFF;
	_ =	strace $0x90000046  }
0xb1: {  	s29 =	simm.s32 $0x9;
	_ =	strace $0x80000048  }
0xb2: {  	_ =	swait.ge [sflag:s29], $0x1  }
0xb3: {  	[sflag:s29] =	ssyncadd.s32 $0xFFFFFFFF  }
0xb4: {  	_ =	strace $0x90000048  }
0xb5: {  	_ =	sfence  }
0xb6: {  	s30 =	sld [smem:$0x0];
	_ =	sdelay $0x2  }
0xb7: {  	s31 =	sshll.u32 s1, $0xD;
	s1 =	sshrl.u32 s1, $0x2  }
0xb8: {  	s3 =	sand.u32 $0x4000, s31;
	s1 =	sadd.s32 s1, s30  }
0xb9: {  	s0 =	sor.u32 s3, s0;
	s1 =	sshll.u32 s1, $0x11  }
0xba: {  	s0 =	sor.u32 s1, s0  }
0xbb: {  	s0 =	sadd.s32 $0x8F2B, s0  }
0xbc: {  	[sflag:s0] =	ssyncadd.remote.s32 $0x1  }
0xbd: {  	_ =	sfence.sel $0xFFFF  }
0xbe: {  	[dreg:$0x0] =	wrdreg $0xFFFFFFFF;
	(pc) =	sbr.abs _section_cstart, $3  }
0xbf: {  	[dreg:$0x1] =	wrdreg $0xFFFFFFFF  }
0xc0: {  	_ =	task.clear_ibuf [dreg:s6], $0x2FFFF;
	_ =	strace $0x9FFFFFFF  }
0xc1: {  	(tm) =	ssettm $0x7FFFFFFF  }
tec
execute0_lowered:
.L_overlay_start_1:
0x0: {  	(tag) =	ssettag $0x1  }
0x1: {  	s1 =	srdreg.scid  }
0x2: {  	s0 =	stileid.u32;
	s10 =	sand.u32 $0x1, s1  }
0x3: {  	s8 =	rddreg [dreg:$0x0];
	s3 =	sshll.u32 s0, $0xB;
	s4 =	sshll.u32 s10, $0xA  }
0x4: {  	s2 =	simm.s32 $0x0;
	s1 =	rddreg [dreg:$0x1];
	s9 =	sor.u32 s4, s3  }
0x5: {  	[smem:$0x7FF] =	sst s2;
	s11 =	sadd.s32 $0x7E00, s8;
	s3 =	sshrl.u32 s9, $0x3  }
0x6: {  	_ =	strace $0x80000047;
	s4 =	sadd.s32 s11, s3;
	s3 =	simm.s32 $0x2  }
0x7: {  	[tilespmem:s2], [sflag:$0x2] =	stream.linear.gather [hbm4b:s4+s2], $0x200, $0x38;
	[tilespmem:$0x10200] =	vst v63  }
0x8: {  	_ =	swait.ge [sflag:s3], $0x200  }
0x9: {  	s6 =	simm.s32 $0x200;
	[sflag:s3] =	ssyncset.done $0x0  }
0xa: {  	s7 =	simm.s32 $0x1;
	s5 =	sadd.s32 $0x8E00, s8;
	[sflag:s3] =	ssyncadd.s32 $0xFFFFFE00  }
0xb: {  	[tilespmem:s6], [sflag:$0x1] =	stream.indirect.gather [hbm4b:s5+s6], $0x80, s2, s6, $0xb8;
	[tilespmem:$0x10200] =	vst v63  }
0xc: {  	_ =	swait.ge [sflag:s7], $0x10000  }
0xd: {  	s12 =	sadd.s32 $0x88E00, s8;
	s29 =	sshll.u32 s9, $0x4;
	[sflag:s7] =	ssyncset.done $0x0  }
0xe: {  	s8 =	sadd.s32 s12, s29;
	[sflag:s7] =	ssyncadd.s32 $0xFFFF0000  }
0xf: {  	[hbm4b:s8+s2] =	stream.linear.scatter [tilespmem:s6], [sflag:$0x2], $0x10000, $0x38;
	[tilespmem:$0x10200] =	vst v63  }
0x10: {  	s13 =	sor.u32 $0x200, s9;
	_ =	swait.ge [sflag:s3], $0x10000  }
0x11: {  	s9 =	sshrl.u32 s13, $0x3;
	[sflag:s3] =	ssyncset.done $0x0  }
0x12: {  	s10 =	ssub.s32 $0x2, s10;
	s9 =	sadd.s32 s11, s9;
	[sflag:s3] =	ssyncadd.s32 $0xFFFF0000  }
0x13: {  	[tilespmem:s2], [sflag:$0x2] =	stream.linear.gather [hbm4b:s9+s2], $0x200, $0x38;
	[tilespmem:$0x10200] =	vst v63  }
0x14: {  	s30 =	sshrl.u32 s10, $0x1;
	_ =	swait.ge [sflag:s3], $0x200  }
0x15: {  	s11 =	ssub.s32 s10, s30;
	[sflag:s3] =	ssyncset.done $0x0  }
0x16: {  	s11 =	smax.u32 s11, $0x1;
	[sflag:s3] =	ssyncadd.s32 $0xFFFFFE00  }
0x17: {  	[tilespmem:s6], [sflag:$0x1] =	stream.indirect.gather [hbm4b:s5+s6], $0x80, s2, s6, $0xb8;
	[tilespmem:$0x10200] =	vst v63  }
0x18: {  	p0 =	sne.s32 s11, $0x1;
	_ =	swait.ge [sflag:s7], $0x10000  }
.Ltmp0:
0x19: {  	s31 =	sshll.u32 s13, $0x4;
	[sflag:s7] =	ssyncset.done $0x0;
	(pc) =	sbr.rel @!p0 .LBB2_2-.Ltmp0, $4  }
0x1a: {  	s10 =	sadd.s32 s12, s31;
	[sflag:s7] =	ssyncadd.s32 $0xFFFF0000  }
0x1b: {  	[hbm4b:s10+s2] =	stream.linear.scatter [tilespmem:s6], [sflag:$0x2], $0x10000, $0x38;
	[tilespmem:$0x10200] =	vst v63  }
0x1c: {  	_ =	swait.ge [sflag:s3], $0x10000  }
0x1d: {  	s11 =	sadd.s32 $0xFFFFFFFF, s11;
	[sflag:s3] =	ssyncset.done $0x0  }
.LBB2_1:
0x1e: {  	p0 =	sne.s32 s11, $0x1;
	s11 =	sadd.s32 $0xFFFFFFFF, s11;
	[sflag:s3] =	ssyncadd.s32 $0xFFFF0000  }
0x1f: {  	[tilespmem:s2], [sflag:$0x2] =	stream.linear.gather [hbm4b:s4+s2], $0x200, $0x38;
	[tilespmem:$0x10200] =	vst v63  }
0x20: {  	_ =	swait.ge [sflag:s3], $0x200  }
0x21: {  	[sflag:s3] =	ssyncset.done $0x0  }
0x22: {  	[sflag:s3] =	ssyncadd.s32 $0xFFFFFE00  }
0x23: {  	[tilespmem:s6], [sflag:$0x1] =	stream.indirect.gather [hbm4b:s5+s6], $0x80, s2, s6, $0xb8;
	[tilespmem:$0x10200] =	vst v63  }
0x24: {  	_ =	swait.ge [sflag:s7], $0x10000  }
0x25: {  	[sflag:s7] =	ssyncset.done $0x0  }
0x26: {  	[sflag:s7] =	ssyncadd.s32 $0xFFFF0000  }
0x27: {  	[hbm4b:s8+s2] =	stream.linear.scatter [tilespmem:s6], [sflag:$0x2], $0x10000, $0x38;
	[tilespmem:$0x10200] =	vst v63  }
0x28: {  	_ =	swait.ge [sflag:s3], $0x10000  }
0x29: {  	[sflag:s3] =	ssyncset.done $0x0  }
0x2a: {  	[sflag:s3] =	ssyncadd.s32 $0xFFFF0000  }
0x2b: {  	[tilespmem:s2], [sflag:$0x2] =	stream.linear.gather [hbm4b:s9+s2], $0x200, $0x38;
	[tilespmem:$0x10200] =	vst v63  }
0x2c: {  	_ =	swait.ge [sflag:s3], $0x200  }
0x2d: {  	[sflag:s3] =	ssyncset.done $0x0  }
0x2e: {  	[sflag:s3] =	ssyncadd.s32 $0xFFFFFE00  }
0x2f: {  	[tilespmem:s6], [sflag:$0x1] =	stream.indirect.gather [hbm4b:s5+s6], $0x80, s2, s6, $0xb8;
	[tilespmem:$0x10200] =	vst v63  }
0x30: {  	_ =	swait.ge [sflag:s7], $0x10000  }
.Ltmp1:
0x31: {  	[sflag:s7] =	ssyncset.done $0x0;
	(pc) =	sbr.rel @p0 .LBB2_1-.Ltmp1, $4  }
0x32: {  	[sflag:s7] =	ssyncadd.s32 $0xFFFF0000  }
0x33: {  	[hbm4b:s10+s2] =	stream.linear.scatter [tilespmem:s6], [sflag:$0x2], $0x10000, $0x38;
	[tilespmem:$0x10200] =	vst v63  }
0x34: {  	_ =	swait.ge [sflag:s3], $0x10000  }
0x35: {  	[sflag:s3] =	ssyncset.done $0x0  }
.LBB2_2:
0x36: {  	[sflag:s3] =	ssyncadd.s32 $0xFFFF0000  }
0x37: {  	_ =	sfence.sel $0x180000  }
0x38: {  	[bflag:$0x0] =	sbarrier.arrive $0xFFFF  }
0x39: {  	p0 =	sne.s32 s0, $0x0;
	_ =	strace $0x90000047  }
0x3a: {  	s0 =	sadd.s32 @!p0 $0x100000, s1;
	[bflag:$0x2] =	sbarrier.arrive $0xFFFF  }
0x3b: {  	[sflag:s0] =	ssyncadd.tile.s32 @!p0 $0x1;
	_ =	shalt  }
.Lfunc_end2:
_tile_overlayer_lowered:
.L_overlay_start_2:
0x3c: {  	(tag) =	ssettag $0x2  }
0x3d: {  	s0 =	rddreg [dreg:$0x0];
	s2 =	stileid.u32  }
0x3e: {  	s1 =	rddreg [dreg:$0x1];
	p0 =	sne.s32 s2, $0x0  }
0x3f: {  	s3 =	rddreg [dreg:$0x2];
	[bflag:$0x3] =	sbarrier.arrive $0xFFFF;
	s2 =	simm.s32 @!p0 $0x1C02  }
0x40: {  	[timem:s3], [sflag:s2] =	dma.local @!p0 [hbm:s0], s1  }
0x41: {  	s0 =	simm.s32 @!p0 $0x2  }
0x42: {  	_ =	swait.ge @!p0 [sflag:s0], s1  }
0x43: {  	s1 =	ssub.s32 @!p0 $0x0, s1;
	[sflag:s0] =	ssyncset.done @!p0 $0x0  }
0x44: {  	[sflag:s0] =	ssyncadd.s32 @!p0 s1  }
0x45: {  	[bflag:$0x3] =	sbarrier.arrive $0xFFFF  }
0x46: {  	_ =	shalt  }

// kernel: kernel.22.cloned.1.call-start
scs
__scs_entry_jumppad:
0x0: {  	(pc) =	sbr.rel $0x88, $3  }
0x1: {  	(tag) =	ssettag $0x0;
	lr =	simm.s32 $0x1  }
0x2: {  	[smem:$0x3F84] =	sst lr;
	_ =	strace $0xD0000000  }
0x3: {  	_ = 	snop  }
0x4: {  	_ = 	snop  }
0x5: {  	_ = 	snop  }
0x6: {  	_ = 	snop  }
0x7: {  	_ = 	snop  }
__scs_overlays_trampoline_lowered:
0x8: {  	[smem:$0x3F93] =	sst s0  }
0x9: {  	[smem:$0x3F94] =	sst s1  }
0xa: {  	[smem:$0x3F95] =	sst s2  }
0xb: {  	[smem:$0x3F96] =	sst s3  }
0xc: {  	[smem:$0x3F97] =	sst s4  }
0xd: {  	[smem:$0x3F98] =	sst s5  }
0xe: {  	[smem:$0x3F99] =	sst s6  }
0xf: {  	[smem:$0x3F9A] =	sst s7  }
0x10: {  	[smem:$0x3F9B] =	sst s8  }
0x11: {  	[smem:$0x3F9C] =	sst s9;
	s0 =	simm.s32 @!p0 $0x0  }
0x12: {  	s1 =	sld [smem:$0x3F82];
	s0 =	simm.s32 @p0 $0x1  }
0x13: {  	[smem:$0x3F9D] =	sst s0;
	s0 =	simm.s32 @!p1 $0x0  }
0x14: {  	s2 =	sld [smem:$0x3F81];
	s0 =	simm.s32 @p1 $0x1  }
0x15: {  	[smem:$0x3F9E] =	sst s0;
	s0 =	simm.s32 @!p2 $0x0  }
0x16: {  	s3 =	sld [smem:$0x3FDB];
	s0 =	simm.s32 @p2 $0x1  }
0x17: {  	s4 =	simm.s32 $0x1BF5;
	[smem:$0x3FA0] =	sst s0  }
0x18: {  	s0 =	sld [smem:$0x3F83];
	_ =	swait.ge [sflag:s4], $0x0  }
0x19: {  	s7 =	sld [smem:$0x3F84]  }
0x1a: {  	s8 =	sadd.s32 $0xFFFFE003, lr  }
0x1b: {  	s9 =	sadd.s32 $0xFFFFFEF7, lr;
	s5 =	simm.s32 $0xFFFFFFFF;
	p2 =	slt.u32 s8, $0xFFFFF086  }
0x1c: {  	p1 =	slt.u32 s9, $0xF7A;
	s5 =	simm.s32 @!p2 $0x0  }
0x1d: {  	s5 =	simm.s32 @p1 $0x1;
	p0 =	seq.s32 s7, s2  }
0x1e: {  	s7 =	smul.u32 @!p0 $0xF7A, s2;
	p2 =	seq.s32 @!p0 s5, $0x0  }
0x1f: {  	s9 =	smul.u32 $0xF7A, s1;
	s8 =	simm.s32 @!p0 $0x1BF5;
	p2 =	por !p2, p0  }
0x20: {  	[sflag:s8] =	ssyncset.s32 @!p0 $0xFFFFF086;
	s6 =	sadd.s32 @!p0 s3, s7;
	s7 =	simm.s32 @!p0 $0x108  }
0x21: {  	s3 =	sadd.s32 s3, s9;
	s6 =	sadd.s32 @!p0 $0x88, s6;
	s7 =	simm.s32 @p2 $0x1082  }
0x22: {  	[simem:s7], [sflag:s8] =	dma.local @!p0 [hbm:s6], $0xF7A  }
0x23: {  	s9 =	sor.u32 $0xD0000000, s2;
	s6 =	simm.s32 $0x108;
	_ =	swait.ge @!p0 [sflag:s8], $0x0  }
0x24: {  	s3 =	sadd.s32 $0x88, s3;
	s6 =	simm.s32 @!p1 $0x1082;
	[sflag:s4] =	ssyncset.s32 $0xFFFFF086  }
0x25: {  	[simem:s6], [sflag:s4] =	dma.local [hbm:s3], $0xF7A  }
0x26: {  	[smem:$0x3F84] =	sst s1;
	(tag) =	ssettag s2;
	_ =	strace s9  }
0x27: {  	s1 =	sld [smem:$0x3F94]  }
0x28: {  	s2 =	sld [smem:$0x3F95]  }
0x29: {  	s4 =	sld [smem:$0x3F97]  }
0x2a: {  	p0 =	seq.s32 s5, $0x0;
	s5 =	sld [smem:$0x3F98]  }
0x2b: {  	s6 =	sld [smem:$0x3F99]  }
0x2c: {  	s7 =	sld [smem:$0x3F9A]  }
0x2d: {  	s3 =	simm.s32 $0x108;
	s8 =	sld [smem:$0x3F9B]  }
0x2e: {  	s3 =	simm.s32 @!p0 $0x1082;
	s9 =	sld [smem:$0x3F9C]  }
0x2f: {  	lr =	sadd.s32 s0, s3;
	s0 =	sld [smem:$0x3F93]  }
0x30: {  	s3 =	sld [smem:$0x3F96]  }
0x31: {  	[smem:$0x3F9F] =	sst s10  }
0x32: {  	s10 =	sld [smem:$0x3F9D];
	_ =	sdelay $0x3  }
0x33: {  	p0 =	seq.s32 s10, $0x1;
	s10 =	sld [smem:$0x3F9F];
	_ =	sdelay $0x3  }
0x34: {  	[smem:$0x3F9F] =	sst s10  }
0x35: {  	s10 =	sld [smem:$0x3F9E];
	_ =	sdelay $0x3  }
0x36: {  	p1 =	seq.s32 s10, $0x1;
	s10 =	sld [smem:$0x3F9F];
	_ =	sdelay $0x3  }
0x37: {  	[smem:$0x3F9F] =	sst s10  }
0x38: {  	s10 =	sld [smem:$0x3FA0]  }
0x39: {  	_ = 	snop;
	(pc) =	sbr.ind lr, $3  }
0x3a: {  	_ = 	snop  }
0x3b: {  	_ = 	snop  }
0x3c: {  	p2 =	seq.s32 s10, $0x1;
	s10 =	sld [smem:$0x3F9F]  }
0x3d: {  	_ =	shalt  }
0x3e: {  	_ =	shalt  }
0x3f: {  	_ =	shalt  }
0x40: {  	_ =	shalt  }
0x41: {  	_ =	shalt  }
0x42: {  	_ =	shalt  }
0x43: {  	_ =	shalt  }
0x44: {  	_ =	shalt  }
0x45: {  	_ =	shalt  }
0x46: {  	_ =	shalt  }
0x47: {  	_ =	shalt  }
0x48: {  	_ =	shalt  }
0x49: {  	_ =	shalt  }
0x4a: {  	_ =	shalt  }
0x4b: {  	_ =	shalt  }
0x4c: {  	_ =	shalt  }
0x4d: {  	_ =	shalt  }
0x4e: {  	_ =	shalt  }
0x4f: {  	_ =	shalt  }
0x50: {  	_ =	shalt  }
0x51: {  	_ =	shalt  }
0x52: {  	_ =	shalt  }
0x53: {  	_ =	shalt  }
0x54: {  	_ =	shalt  }
0x55: {  	_ =	shalt  }
0x56: {  	_ =	shalt  }
0x57: {  	_ =	shalt  }
0x58: {  	_ =	shalt  }
0x59: {  	_ =	shalt  }
0x5a: {  	_ =	shalt  }
0x5b: {  	_ =	shalt  }
0x5c: {  	_ =	shalt  }
0x5d: {  	_ =	shalt  }
0x5e: {  	_ =	shalt  }
0x5f: {  	_ =	shalt  }
0x60: {  	_ =	shalt  }
0x61: {  	_ =	shalt  }
0x62: {  	_ =	shalt  }
0x63: {  	_ =	shalt  }
0x64: {  	_ =	shalt  }
0x65: {  	_ =	shalt  }
0x66: {  	_ =	shalt  }
0x67: {  	_ =	shalt  }
0x68: {  	_ =	shalt  }
0x69: {  	_ =	shalt  }
0x6a: {  	_ =	shalt  }
0x6b: {  	_ =	shalt  }
0x6c: {  	_ =	shalt  }
0x6d: {  	_ =	shalt  }
0x6e: {  	_ =	shalt  }
0x6f: {  	_ =	shalt  }
0x70: {  	_ =	shalt  }
0x71: {  	_ =	shalt  }
0x72: {  	_ =	shalt  }
0x73: {  	_ =	shalt  }
0x74: {  	_ =	shalt  }
0x75: {  	_ =	shalt  }
0x76: {  	_ =	shalt  }
0x77: {  	_ =	shalt  }
0x78: {  	_ =	shalt  }
0x79: {  	_ =	shalt  }
0x7a: {  	_ =	shalt  }
0x7b: {  	_ =	shalt  }
0x7c: {  	_ =	shalt  }
0x7d: {  	_ =	shalt  }
0x7e: {  	_ =	shalt  }
0x7f: {  	_ =	shalt  }
0x80: {  	_ =	shalt  }
0x81: {  	_ =	shalt  }
0x82: {  	_ =	shalt  }
0x83: {  	_ =	shalt  }
0x84: {  	_ =	shalt  }
0x85: {  	_ =	shalt  }
0x86: {  	_ =	shalt  }
0x87: {  	_ =	shalt  }
.Lfunc_end0:
.L_simem_size_0:
called_computation.1_lowered:
.L_overlay_start_0:
0x88: {  	s2 =	sld [smem:$0x3FD9]  }
0x89: {  	s3 =	sld [smem:$0x3FFE];
	_ =	sdelay $0x1  }
0x8a: {  	s1 =	srdreg.scid  }
0x8b: {  	s0 =	sand.u32 $0x1, s1  }
0x8c: {  	s17 =	sshll.u32 s0, $0xA;
	s2 =	sadd.s32 s3, s2  }
0x8d: {  	s2 =	sadd.s32 s2, s17  }
0x8e: {  	[smem:$0x3FAB] =	sst s2  }
0x8f: {  	_ = 	snop  }
0x90: {  	(tm) =	ssettm $0x1  }
0x91: {  	s18 =	sld [smem:$0x3FFB];
	_ =	sdelay $0x3  }
0x92: {  	_ =	strace s18  }
0x93: {  	s2 =	sld [smem:$0x3FFC];
	_ =	sdelay $0x3  }
0x94: {  	_ =	strace s2  }
0x95: {  	s2 =	sld [smem:$0x3FFD];
	_ =	sdelay $0x3  }
0x96: {  	_ =	strace s2  }
0x97: {  	_ =	strace $0x8FFFFFFF  }
0x98: {  	s19 =	sld [smem:$0x3FDB];
	_ =	sdelay $0x1  }
0x99: {  	s20 =	simm.s32 $_scs_section_size  }
0x9a: {  	s4 =	simm.s32 $_size__tile_overlayer_lowered;
	s5 =	simm.s32 $_tile_overlayer_lowered  }
0x9b: {  	s6 =	simm.s32 $0x1BFF;
	s21 =	sshll.u32 s5, $0x1;
	s3 =	sadd.s32 s20, s19  }
0x9c: {  	s22 =	simm.s32 $0x0;
	s4 =	sshll.u32 s4, $0x1;
	s5 =	sadd.s32 s21, s3  }
0x9d: {  	[timem:s22], [sflag:s6] =	dma.local [hbm:s5], s4  }
0x9e: {  	_ =	swait.ge [sflag:s6], s4  }
0x9f: {  	s4 =	ssub.s32 $0x0, s4;
	[sflag:s6] =	ssyncset.done $0x0  }
0xa0: {  	[sflag:s6] =	ssyncadd.s32 s4;
	_ =	sdelay $0x1  }
0xa1: {  	s23 =	simm.s32 $0x1B8B  }
0xa2: {  	_ =	swait.ge [sflag:s23], $0x1  }
0xa3: {  	[sflag:s23] =	ssyncset.done $0x0  }
0xa4: {  	[sflag:s23] =	ssyncadd.s32 $0xFFFFFFFF  }
0xa5: {  	s4 =	sld [smem:$0x0]  }
0xa6: {  	s5 =	sand.u32 $0xFFFFFFFE, s1  }
0xa7: {  	p0 =	sne.s32 s1, s5  }
0xa8: {  	s5 =	sshll.u32 @p0 s5, $0xE  }
0xa9: {  	s5 =	sadd.s32 @p0 $0x11B8D, s5;
	s6 =	sshll.u32 @p0 s4, $0x11  }
0xaa: {  	s5 =	sor.u32 @p0 s6, s5  }
0xab: {  	[sflag:s5] =	ssyncadd.remote.s32 @p0 $0x1;
	_ =	sdelay $0x1  }
0xac: {  	s5 =	simm.s32 @p0 $0x1B8D  }
0xad: {  	_ =	swait.eq @p0 [sflag:s5], $0x1  }
0xae: {  	[sflag:s5] =	ssyncadd.s32 @p0 $0xFFFFFFFF  }
0xaf: {  	s6 =	sshll.u32 @!p0 s1, $0xE  }
0xb0: {  	s6 =	sor.u32 @!p0 $0x4000, s6;
	s5 =	simm.s32 @!p0 $0x1B8D  }
0xb1: {  	s4 =	sshll.u32 @!p0 s4, $0x11;
	s6 =	sadd.s32 @!p0 $0x11B8D, s6;
	_ =	swait.eq @!p0 [sflag:s5], $0x1  }
0xb2: {  	s4 =	sor.u32 @!p0 s4, s6;
	[sflag:s5] =	ssyncadd.s32 @!p0 $0xFFFFFFFF  }
0xb3: {  	s25 =	simm.s32 $0x1B8E;
	s24 =	sld [smem:$0x3FFE];
	[sflag:s4] =	ssyncadd.remote.s32 @!p0 $0x1  }
0xb4: {  	s26 =	simm.s32 $execute0_lowered;
	[smem:$0x3FD2] =	sst s25  }
0xb5: {  	s5 =	sshll.u32 s26, $0x1;
	_ =	strace $0x80000049;
	[dreg:$0x1] =	wrdreg $0xFFFFFFFF  }
0xb6: {  	s28 =	simm.s32 $_size_execute0_lowered;
	s3 =	sadd.s32 s3, s5;
	[dreg:$0x0] =	wrdreg $0x0  }
0xb7: {  	s5 =	sshll.u32 s28, $0x1;
	[dreg:$0x2] =	wrdreg s3  }
0xb8: {  	[dreg:$0x3] =	wrdreg s5  }
0xb9: {  	[dreg:$0x4] =	wrdreg $0xC0  }
0xba: {  	_ =	task [dreg:s22], $0x5FFFF  }
0xbb: {  	[dreg:$0x1] =	wrdreg $0xFFFFFFFF  }
0xbc: {  	[dreg:$0x0] =	wrdreg $0x60  }
0xbd: {  	[dreg:$0x2] =	wrdreg s24  }
0xbe: {  	[dreg:$0x3] =	wrdreg $0xA  }
0xbf: {  	_ =	task.clear_ibuf [dreg:s22], $0x4FFFF;
	_ =	strace $0x90000049  }
0xc0: {  	s29 =	simm.s32 $0xA;
	_ =	strace $0x8000004B  }
0xc1: {  	_ =	swait.ge [sflag:s29], $0x1  }
0xc2: {  	[sflag:s29] =	ssyncadd.s32 $0xFFFFFFFF  }
0xc3: {  	_ =	strace $0x9000004B  }
0xc4: {  	_ =	sfence  }
0xc5: {  	s30 =	sld [smem:$0x0];
	_ =	sdelay $0x2  }
0xc6: {  	s31 =	sshll.u32 s1, $0xD;
	s1 =	sshrl.u32 s1, $0x2  }
0xc7: {  	s4 =	sand.u32 $0x4000, s31;
	s1 =	sadd.s32 s1, s30  }
0xc8: {  	s0 =	sor.u32 s4, s0;
	s1 =	sshll.u32 s1, $0x11  }
0xc9: {  	s0 =	sor.u32 s1, s0  }
0xca: {  	s0 =	sadd.s32 $0x8F2B, s0  }
0xcb: {  	[sflag:s0] =	ssyncadd.remote.s32 $0x1  }
0xcc: {  	_ =	sfence.sel $0xFFFF  }
0xcd: {  	[dreg:$0x0] =	wrdreg $0xFFFFFFFF;
	(pc) =	sbr.abs _section_cstart, $3  }
0xce: {  	[dreg:$0x1] =	wrdreg $0xFFFFFFFF  }
0xcf: {  	_ =	task.clear_ibuf [dreg:s22], $0x2FFFF;
	_ =	strace $0x9FFFFFFF  }
0xd0: {  	(tm) =	ssettm $0x7FFFFFFF  }
0xd1: {  	_ =	shalt  }
tec
execute0_lowered:
.L_overlay_start_1:
0x0: {  	(tag) =	ssettag $0x1  }
0x1: {  	s1 =	srdreg.scid  }
0x2: {  	s0 =	stileid.u32;
	s14 =	sand.u32 $0x1, s1  }
0x3: {  	s8 =	rddreg [dreg:$0x0];
	s3 =	sshll.u32 s0, $0xC;
	s4 =	sshll.u32 s14, $0xB  }
0x4: {  	s2 =	simm.s32 $0x0;
	s1 =	rddreg [dreg:$0x1];
	s13 =	sor.u32 s4, s3  }
0x5: {  	[smem:$0x7FF] =	sst s2;
	s15 =	sadd.s32 $0x108E00, s8;
	s3 =	sshrl.u32 s13, $0x3  }
0x6: {  	_ =	strace $0x8000004A;
	s4 =	sadd.s32 s15, s3;
	s3 =	simm.s32 $0x2  }
0x7: {  	[tilespmem:s2], [sflag:$0x2] =	stream.linear.gather [hbm4b:s4+s2], $0x200, $0x38;
	[tilespmem:$0x10200] =	vst v63  }
0x8: {  	_ =	swait.ge [sflag:s3], $0x200  }
0x9: {  	s6 =	simm.s32 $0x200;
	[sflag:s3] =	ssyncset.done $0x0  }
0xa: {  	s7 =	simm.s32 $0x1;
	s5 =	sadd.s32 $0x8E00, s8;
	[sflag:s3] =	ssyncadd.s32 $0xFFFFFE00  }
0xb: {  	[tilespmem:s6], [sflag:$0x1] =	stream.indirect.gather [hbm4b:s5+s6], $0x80, s2, s6, $0xb8;
	[tilespmem:$0x10200] =	vst v63  }
0xc: {  	_ =	swait.ge [sflag:s7], $0x10000  }
0xd: {  	s16 =	sadd.s32 $0x10AE00, s8;
	s29 =	sshll.u32 s13, $0x4;
	[sflag:s7] =	ssyncset.done $0x0  }
0xe: {  	s8 =	sadd.s32 s16, s29;
	[sflag:s7] =	ssyncadd.s32 $0xFFFF0000  }
0xf: {  	[hbm4b:s8+s2] =	stream.linear.scatter [tilespmem:s6], [sflag:$0x2], $0x10000, $0x38;
	[tilespmem:$0x10200] =	vst v63  }
0x10: {  	s10 =	sor.u32 $0x200, s13;
	_ =	swait.ge [sflag:s3], $0x10000  }
0x11: {  	s9 =	sshrl.u32 s10, $0x3;
	[sflag:s3] =	ssyncset.done $0x0  }
0x12: {  	s9 =	sadd.s32 s15, s9;
	[sflag:s3] =	ssyncadd.s32 $0xFFFF0000  }
0x13: {  	[tilespmem:s2], [sflag:$0x2] =	stream.linear.gather [hbm4b:s9+s2], $0x200, $0x38;
	[tilespmem:$0x10200] =	vst v63  }
0x14: {  	_ =	swait.ge [sflag:s3], $0x200  }
0x15: {  	[sflag:s3] =	ssyncset.done $0x0  }
0x16: {  	[sflag:s3] =	ssyncadd.s32 $0xFFFFFE00  }
0x17: {  	[tilespmem:s6], [sflag:$0x1] =	stream.indirect.gather [hbm4b:s5+s6], $0x80, s2, s6, $0xb8;
	[tilespmem:$0x10200] =	vst v63  }
0x18: {  	_ =	swait.ge [sflag:s7], $0x10000  }
0x19: {  	s10 =	sshll.u32 s10, $0x4;
	[sflag:s7] =	ssyncset.done $0x0  }
0x1a: {  	s10 =	sadd.s32 s16, s10;
	[sflag:s7] =	ssyncadd.s32 $0xFFFF0000  }
0x1b: {  	[hbm4b:s10+s2] =	stream.linear.scatter [tilespmem:s6], [sflag:$0x2], $0x10000, $0x38;
	[tilespmem:$0x10200] =	vst v63  }
0x1c: {  	s12 =	sor.u32 $0x400, s13;
	_ =	swait.ge [sflag:s3], $0x10000  }
0x1d: {  	s11 =	sshrl.u32 s12, $0x3;
	[sflag:s3] =	ssyncset.done $0x0  }
0x1e: {  	s11 =	sadd.s32 s15, s11;
	[sflag:s3] =	ssyncadd.s32 $0xFFFF0000  }
0x1f: {  	[tilespmem:s2], [sflag:$0x2] =	stream.linear.gather [hbm4b:s11+s2], $0x200, $0x38;
	[tilespmem:$0x10200] =	vst v63  }
0x20: {  	_ =	swait.ge [sflag:s3], $0x200  }
0x21: {  	[sflag:s3] =	ssyncset.done $0x0  }
0x22: {  	[sflag:s3] =	ssyncadd.s32 $0xFFFFFE00  }
0x23: {  	[tilespmem:s6], [sflag:$0x1] =	stream.indirect.gather [hbm4b:s5+s6], $0x80, s2, s6, $0xb8;
	[tilespmem:$0x10200] =	vst v63  }
0x24: {  	_ =	swait.ge [sflag:s7], $0x10000  }
0x25: {  	s12 =	sshll.u32 s12, $0x4;
	[sflag:s7] =	ssyncset.done $0x0  }
0x26: {  	s12 =	sadd.s32 s16, s12;
	[sflag:s7] =	ssyncadd.s32 $0xFFFF0000  }
0x27: {  	[hbm4b:s12+s2] =	stream.linear.scatter [tilespmem:s6], [sflag:$0x2], $0x10000, $0x38;
	[tilespmem:$0x10200] =	vst v63  }
0x28: {  	s17 =	sor.u32 $0x600, s13;
	_ =	swait.ge [sflag:s3], $0x10000  }
0x29: {  	s13 =	sshrl.u32 s17, $0x3;
	[sflag:s3] =	ssyncset.done $0x0  }
0x2a: {  	s14 =	ssub.s32 $0x2, s14;
	s13 =	sadd.s32 s15, s13;
	[sflag:s3] =	ssyncadd.s32 $0xFFFF0000  }
0x2b: {  	[tilespmem:s2], [sflag:$0x2] =	stream.linear.gather [hbm4b:s13+s2], $0x200, $0x38;
	[tilespmem:$0x10200] =	vst v63  }
0x2c: {  	s30 =	sshrl.u32 s14, $0x1;
	_ =	swait.ge [sflag:s3], $0x200  }
0x2d: {  	s15 =	ssub.s32 s14, s30;
	[sflag:s3] =	ssyncset.done $0x0  }
0x2e: {  	s15 =	smax.u32 s15, $0x1;
	[sflag:s3] =	ssyncadd.s32 $0xFFFFFE00  }
0x2f: {  	[tilespmem:s6], [sflag:$0x1] =	stream.indirect.gather [hbm4b:s5+s6], $0x80, s2, s6, $0xb8;
	[tilespmem:$0x10200] =	vst v63  }
0x30: {  	p0 =	sne.s32 s15, $0x1;
	_ =	swait.ge [sflag:s7], $0x10000  }
.Ltmp0:
0x31: {  	s31 =	sshll.u32 s17, $0x4;
	[sflag:s7] =	ssyncset.done $0x0;
	(pc) =	sbr.rel @!p0 .LBB2_2-.Ltmp0, $4  }
0x32: {  	s14 =	sadd.s32 s16, s31;
	[sflag:s7] =	ssyncadd.s32 $0xFFFF0000  }
0x33: {  	[hbm4b:s14+s2] =	stream.linear.scatter [tilespmem:s6], [sflag:$0x2], $0x10000, $0x38;
	[tilespmem:$0x10200] =	vst v63  }
0x34: {  	_ =	swait.ge [sflag:s3], $0x10000  }
0x35: {  	s15 =	sadd.s32 $0xFFFFFFFF, s15;
	[sflag:s3] =	ssyncset.done $0x0  }
.LBB2_1:
0x36: {  	p0 =	sne.s32 s15, $0x1;
	s15 =	sadd.s32 $0xFFFFFFFF, s15;
	[sflag:s3] =	ssyncadd.s32 $0xFFFF0000  }
0x37: {  	[tilespmem:s2], [sflag:$0x2] =	stream.linear.gather [hbm4b:s4+s2], $0x200, $0x38;
	[tilespmem:$0x10200] =	vst v63  }
0x38: {  	_ =	swait.ge [sflag:s3], $0x200  }
0x39: {  	[sflag:s3] =	ssyncset.done $0x0  }
0x3a: {  	[sflag:s3] =	ssyncadd.s32 $0xFFFFFE00  }
0x3b: {  	[tilespmem:s6], [sflag:$0x1] =	stream.indirect.gather [hbm4b:s5+s6], $0x80, s2, s6, $0xb8;
	[tilespmem:$0x10200] =	vst v63  }
0x3c: {  	_ =	swait.ge [sflag:s7], $0x10000  }
0x3d: {  	[sflag:s7] =	ssyncset.done $0x0  }
0x3e: {  	[sflag:s7] =	ssyncadd.s32 $0xFFFF0000  }
0x3f: {  	[hbm4b:s8+s2] =	stream.linear.scatter [tilespmem:s6], [sflag:$0x2], $0x10000, $0x38;
	[tilespmem:$0x10200] =	vst v63  }
0x40: {  	_ =	swait.ge [sflag:s3], $0x10000  }
0x41: {  	[sflag:s3] =	ssyncset.done $0x0  }
0x42: {  	[sflag:s3] =	ssyncadd.s32 $0xFFFF0000  }
0x43: {  	[tilespmem:s2], [sflag:$0x2] =	stream.linear.gather [hbm4b:s9+s2], $0x200, $0x38;
	[tilespmem:$0x10200] =	vst v63  }
0x44: {  	_ =	swait.ge [sflag:s3], $0x200  }
0x45: {  	[sflag:s3] =	ssyncset.done $0x0  }
0x46: {  	[sflag:s3] =	ssyncadd.s32 $0xFFFFFE00  }
0x47: {  	[tilespmem:s6], [sflag:$0x1] =	stream.indirect.gather [hbm4b:s5+s6], $0x80, s2, s6, $0xb8;
	[tilespmem:$0x10200] =	vst v63  }
0x48: {  	_ =	swait.ge [sflag:s7], $0x10000  }
0x49: {  	[sflag:s7] =	ssyncset.done $0x0  }
0x4a: {  	[sflag:s7] =	ssyncadd.s32 $0xFFFF0000  }
0x4b: {  	[hbm4b:s10+s2] =	stream.linear.scatter [tilespmem:s6], [sflag:$0x2], $0x10000, $0x38;
	[tilespmem:$0x10200] =	vst v63  }
0x4c: {  	_ =	swait.ge [sflag:s3], $0x10000  }
0x4d: {  	[sflag:s3] =	ssyncset.done $0x0  }
0x4e: {  	[sflag:s3] =	ssyncadd.s32 $0xFFFF0000  }
0x4f: {  	[tilespmem:s2], [sflag:$0x2] =	stream.linear.gather [hbm4b:s11+s2], $0x200, $0x38;
	[tilespmem:$0x10200] =	vst v63  }
0x50: {  	_ =	swait.ge [sflag:s3], $0x200  }
0x51: {  	[sflag:s3] =	ssyncset.done $0x0  }
0x52: {  	[sflag:s3] =	ssyncadd.s32 $0xFFFFFE00  }
0x53: {  	[tilespmem:s6], [sflag:$0x1] =	stream.indirect.gather [hbm4b:s5+s6], $0x80, s2, s6, $0xb8;
	[tilespmem:$0x10200] =	vst v63  }
0x54: {  	_ =	swait.ge [sflag:s7], $0x10000  }
0x55: {  	[sflag:s7] =	ssyncset.done $0x0  }
0x56: {  	[sflag:s7] =	ssyncadd.s32 $0xFFFF0000  }
0x57: {  	[hbm4b:s12+s2] =	stream.linear.scatter [tilespmem:s6], [sflag:$0x2], $0x10000, $0x38;
	[tilespmem:$0x10200] =	vst v63  }
0x58: {  	_ =	swait.ge [sflag:s3], $0x10000  }
0x59: {  	[sflag:s3] =	ssyncset.done $0x0  }
0x5a: {  	[sflag:s3] =	ssyncadd.s32 $0xFFFF0000  }
0x5b: {  	[tilespmem:s2], [sflag:$0x2] =	stream.linear.gather [hbm4b:s13+s2], $0x200, $0x38;
	[tilespmem:$0x10200] =	vst v63  }
0x5c: {  	_ =	swait.ge [sflag:s3], $0x200  }
0x5d: {  	[sflag:s3] =	ssyncset.done $0x0  }
0x5e: {  	[sflag:s3] =	ssyncadd.s32 $0xFFFFFE00  }
0x5f: {  	[tilespmem:s6], [sflag:$0x1] =	stream.indirect.gather [hbm4b:s5+s6], $0x80, s2, s6, $0xb8;
	[tilespmem:$0x10200] =	vst v63  }
0x60: {  	_ =	swait.ge [sflag:s7], $0x10000  }
.Ltmp1:
0x61: {  	[sflag:s7] =	ssyncset.done $0x0;
	(pc) =	sbr.rel @p0 .LBB2_1-.Ltmp1, $4  }
0x62: {  	[sflag:s7] =	ssyncadd.s32 $0xFFFF0000  }
0x63: {  	[hbm4b:s14+s2] =	stream.linear.scatter [tilespmem:s6], [sflag:$0x2], $0x10000, $0x38;
	[tilespmem:$0x10200] =	vst v63  }
0x64: {  	_ =	swait.ge [sflag:s3], $0x10000  }
0x65: {  	[sflag:s3] =	ssyncset.done $0x0  }
.LBB2_2:
0x66: {  	[sflag:s3] =	ssyncadd.s32 $0xFFFF0000  }
0x67: {  	_ =	sfence.sel $0x180000  }
0x68: {  	[bflag:$0x0] =	sbarrier.arrive $0xFFFF  }
0x69: {  	p0 =	sne.s32 s0, $0x0;
	_ =	strace $0x9000004A  }
0x6a: {  	s0 =	sadd.s32 @!p0 $0x100000, s1;
	[bflag:$0x2] =	sbarrier.arrive $0xFFFF  }
0x6b: {  	[sflag:s0] =	ssyncadd.tile.s32 @!p0 $0x1;
	_ =	shalt  }
.Lfunc_end2:
_tile_overlayer_lowered:
.L_overlay_start_2:
0x6c: {  	(tag) =	ssettag $0x2  }
0x6d: {  	s0 =	rddreg [dreg:$0x0];
	s2 =	stileid.u32  }
0x6e: {  	s1 =	rddreg [dreg:$0x1];
	p0 =	sne.s32 s2, $0x0  }
0x6f: {  	s3 =	rddreg [dreg:$0x2];
	[bflag:$0x3] =	sbarrier.arrive $0xFFFF;
	s2 =	simm.s32 @!p0 $0x1C02  }
0x70: {  	[timem:s3], [sflag:s2] =	dma.local @!p0 [hbm:s0], s1  }
0x71: {  	s0 =	simm.s32 @!p0 $0x2  }
0x72: {  	_ =	swait.ge @!p0 [sflag:s0], s1  }
0x73: {  	s1 =	ssub.s32 @!p0 $0x0, s1;
	[sflag:s0] =	ssyncset.done @!p0 $0x0  }
0x74: {  	[sflag:s0] =	ssyncadd.s32 @!p0 s1  }
0x75: {  	[bflag:$0x3] =	sbarrier.arrive $0xFFFF  }
0x76: {  	_ =	shalt  }

// kernel: kernel.25.cloned.1.call-start
scs
__scs_entry_jumppad:
0x0: {  	(pc) =	sbr.rel $0x88, $3  }
0x1: {  	(tag) =	ssettag $0x0;
	lr =	simm.s32 $0x1  }
0x2: {  	[smem:$0x3F84] =	sst lr;
	_ =	strace $0xD0000000  }
0x3: {  	_ = 	snop  }
0x4: {  	_ = 	snop  }
0x5: {  	_ = 	snop  }
0x6: {  	_ = 	snop  }
0x7: {  	_ = 	snop  }
__scs_overlays_trampoline_lowered:
0x8: {  	[smem:$0x3F93] =	sst s0  }
0x9: {  	[smem:$0x3F94] =	sst s1  }
0xa: {  	[smem:$0x3F95] =	sst s2  }
0xb: {  	[smem:$0x3F96] =	sst s3  }
0xc: {  	[smem:$0x3F97] =	sst s4  }
0xd: {  	[smem:$0x3F98] =	sst s5  }
0xe: {  	[smem:$0x3F99] =	sst s6  }
0xf: {  	[smem:$0x3F9A] =	sst s7  }
0x10: {  	[smem:$0x3F9B] =	sst s8  }
0x11: {  	[smem:$0x3F9C] =	sst s9;
	s0 =	simm.s32 @!p0 $0x0  }
0x12: {  	s1 =	sld [smem:$0x3F82];
	s0 =	simm.s32 @p0 $0x1  }
0x13: {  	[smem:$0x3F9D] =	sst s0;
	s0 =	simm.s32 @!p1 $0x0  }
0x14: {  	s2 =	sld [smem:$0x3F81];
	s0 =	simm.s32 @p1 $0x1  }
0x15: {  	[smem:$0x3F9E] =	sst s0;
	s0 =	simm.s32 @!p2 $0x0  }
0x16: {  	s3 =	sld [smem:$0x3FDB];
	s0 =	simm.s32 @p2 $0x1  }
0x17: {  	s4 =	simm.s32 $0x1BF5;
	[smem:$0x3FA0] =	sst s0  }
0x18: {  	s0 =	sld [smem:$0x3F83];
	_ =	swait.ge [sflag:s4], $0x0  }
0x19: {  	s7 =	sld [smem:$0x3F84]  }
0x1a: {  	s8 =	sadd.s32 $0xFFFFE003, lr  }
0x1b: {  	s9 =	sadd.s32 $0xFFFFFEF7, lr;
	s5 =	simm.s32 $0xFFFFFFFF;
	p2 =	slt.u32 s8, $0xFFFFF086  }
0x1c: {  	p1 =	slt.u32 s9, $0xF7A;
	s5 =	simm.s32 @!p2 $0x0  }
0x1d: {  	s5 =	simm.s32 @p1 $0x1;
	p0 =	seq.s32 s7, s2  }
0x1e: {  	s7 =	smul.u32 @!p0 $0xF7A, s2;
	p2 =	seq.s32 @!p0 s5, $0x0  }
0x1f: {  	s9 =	smul.u32 $0xF7A, s1;
	s8 =	simm.s32 @!p0 $0x1BF5;
	p2 =	por !p2, p0  }
0x20: {  	[sflag:s8] =	ssyncset.s32 @!p0 $0xFFFFF086;
	s6 =	sadd.s32 @!p0 s3, s7;
	s7 =	simm.s32 @!p0 $0x108  }
0x21: {  	s3 =	sadd.s32 s3, s9;
	s6 =	sadd.s32 @!p0 $0x88, s6;
	s7 =	simm.s32 @p2 $0x1082  }
0x22: {  	[simem:s7], [sflag:s8] =	dma.local @!p0 [hbm:s6], $0xF7A  }
0x23: {  	s9 =	sor.u32 $0xD0000000, s2;
	s6 =	simm.s32 $0x108;
	_ =	swait.ge @!p0 [sflag:s8], $0x0  }
0x24: {  	s3 =	sadd.s32 $0x88, s3;
	s6 =	simm.s32 @!p1 $0x1082;
	[sflag:s4] =	ssyncset.s32 $0xFFFFF086  }
0x25: {  	[simem:s6], [sflag:s4] =	dma.local [hbm:s3], $0xF7A  }
0x26: {  	[smem:$0x3F84] =	sst s1;
	(tag) =	ssettag s2;
	_ =	strace s9  }
0x27: {  	s1 =	sld [smem:$0x3F94]  }
0x28: {  	s2 =	sld [smem:$0x3F95]  }
0x29: {  	s4 =	sld [smem:$0x3F97]  }
0x2a: {  	p0 =	seq.s32 s5, $0x0;
	s5 =	sld [smem:$0x3F98]  }
0x2b: {  	s6 =	sld [smem:$0x3F99]  }
0x2c: {  	s7 =	sld [smem:$0x3F9A]  }
0x2d: {  	s3 =	simm.s32 $0x108;
	s8 =	sld [smem:$0x3F9B]  }
0x2e: {  	s3 =	simm.s32 @!p0 $0x1082;
	s9 =	sld [smem:$0x3F9C]  }
0x2f: {  	lr =	sadd.s32 s0, s3;
	s0 =	sld [smem:$0x3F93]  }
0x30: {  	s3 =	sld [smem:$0x3F96]  }
0x31: {  	[smem:$0x3F9F] =	sst s10  }
0x32: {  	s10 =	sld [smem:$0x3F9D];
	_ =	sdelay $0x3  }
0x33: {  	p0 =	seq.s32 s10, $0x1;
	s10 =	sld [smem:$0x3F9F];
	_ =	sdelay $0x3  }
0x34: {  	[smem:$0x3F9F] =	sst s10  }
0x35: {  	s10 =	sld [smem:$0x3F9E];
	_ =	sdelay $0x3  }
0x36: {  	p1 =	seq.s32 s10, $0x1;
	s10 =	sld [smem:$0x3F9F];
	_ =	sdelay $0x3  }
0x37: {  	[smem:$0x3F9F] =	sst s10  }
0x38: {  	s10 =	sld [smem:$0x3FA0]  }
0x39: {  	_ = 	snop;
	(pc) =	sbr.ind lr, $3  }
0x3a: {  	_ = 	snop  }
0x3b: {  	_ = 	snop  }
0x3c: {  	p2 =	seq.s32 s10, $0x1;
	s10 =	sld [smem:$0x3F9F]  }
0x3d: {  	_ =	shalt  }
0x3e: {  	_ =	shalt  }
0x3f: {  	_ =	shalt  }
0x40: {  	_ =	shalt  }
0x41: {  	_ =	shalt  }
0x42: {  	_ =	shalt  }
0x43: {  	_ =	shalt  }
0x44: {  	_ =	shalt  }
0x45: {  	_ =	shalt  }
0x46: {  	_ =	shalt  }
0x47: {  	_ =	shalt  }
0x48: {  	_ =	shalt  }
0x49: {  	_ =	shalt  }
0x4a: {  	_ =	shalt  }
0x4b: {  	_ =	shalt  }
0x4c: {  	_ =	shalt  }
0x4d: {  	_ =	shalt  }
0x4e: {  	_ =	shalt  }
0x4f: {  	_ =	shalt  }
0x50: {  	_ =	shalt  }
0x51: {  	_ =	shalt  }
0x52: {  	_ =	shalt  }
0x53: {  	_ =	shalt  }
0x54: {  	_ =	shalt  }
0x55: {  	_ =	shalt  }
0x56: {  	_ =	shalt  }
0x57: {  	_ =	shalt  }
0x58: {  	_ =	shalt  }
0x59: {  	_ =	shalt  }
0x5a: {  	_ =	shalt  }
0x5b: {  	_ =	shalt  }
0x5c: {  	_ =	shalt  }
0x5d: {  	_ =	shalt  }
0x5e: {  	_ =	shalt  }
0x5f: {  	_ =	shalt  }
0x60: {  	_ =	shalt  }
0x61: {  	_ =	shalt  }
0x62: {  	_ =	shalt  }
0x63: {  	_ =	shalt  }
0x64: {  	_ =	shalt  }
0x65: {  	_ =	shalt  }
0x66: {  	_ =	shalt  }
0x67: {  	_ =	shalt  }
0x68: {  	_ =	shalt  }
0x69: {  	_ =	shalt  }
0x6a: {  	_ =	shalt  }
0x6b: {  	_ =	shalt  }
0x6c: {  	_ =	shalt  }
0x6d: {  	_ =	shalt  }
0x6e: {  	_ =	shalt  }
0x6f: {  	_ =	shalt  }
0x70: {  	_ =	shalt  }
0x71: {  	_ =	shalt  }
0x72: {  	_ =	shalt  }
0x73: {  	_ =	shalt  }
0x74: {  	_ =	shalt  }
0x75: {  	_ =	shalt  }
0x76: {  	_ =	shalt  }
0x77: {  	_ =	shalt  }
0x78: {  	_ =	shalt  }
0x79: {  	_ =	shalt  }
0x7a: {  	_ =	shalt  }
0x7b: {  	_ =	shalt  }
0x7c: {  	_ =	shalt  }
0x7d: {  	_ =	shalt  }
0x7e: {  	_ =	shalt  }
0x7f: {  	_ =	shalt  }
0x80: {  	_ =	shalt  }
0x81: {  	_ =	shalt  }
0x82: {  	_ =	shalt  }
0x83: {  	_ =	shalt  }
0x84: {  	_ =	shalt  }
0x85: {  	_ =	shalt  }
0x86: {  	_ =	shalt  }
0x87: {  	_ =	shalt  }
.Lfunc_end0:
.L_simem_size_0:
called_computation.2_lowered:
.L_overlay_start_0:
0x88: {  	s2 =	sld [smem:$0x3FD9]  }
0x89: {  	s3 =	sld [smem:$0x3FFE];
	_ =	sdelay $0x1  }
0x8a: {  	s1 =	srdreg.scid  }
0x8b: {  	s0 =	sand.u32 $0x1, s1  }
0x8c: {  	s15 =	sshll.u32 s0, $0xA;
	s2 =	sadd.s32 s3, s2  }
0x8d: {  	s2 =	sadd.s32 s2, s15  }
0x8e: {  	[smem:$0x3FAB] =	sst s2  }
0x8f: {  	_ = 	snop  }
0x90: {  	s2 =	sld [smem:$0x3FD0];
	_ =	sdelay $0x2  }
0x91: {  	s16 =	simm.s32 $0xC;
	s4 =	simm.s32 $0x10  }
0x92: {  	[smem:s4], [sflag:s16] =	dma.local [hbm:s2], $0x1  }
0x93: {  	_ =	swait.eq [sflag:s16], $0x1  }
0x94: {  	[sflag:s16] =	ssyncset.done $0x0  }
0x95: {  	[sflag:s16] =	ssyncadd.s32 $0xFFFFFFFF  }
0x96: {  	s17 =	sld [smem:$0x11];
	(tm) =	ssettm $0x1  }
0x97: {  	s18 =	sld [smem:$0x3FFB];
	_ =	sdelay $0x3  }
0x98: {  	_ =	strace s18  }
0x99: {  	s2 =	sld [smem:$0x3FFC];
	_ =	sdelay $0x3  }
0x9a: {  	_ =	strace s2  }
0x9b: {  	s2 =	sld [smem:$0x3FFD];
	_ =	sdelay $0x3  }
0x9c: {  	_ =	strace s2  }
0x9d: {  	_ =	strace $0x8FFFFFFF  }
0x9e: {  	s19 =	sld [smem:$0x3FDB];
	_ =	sdelay $0x1  }
0x9f: {  	s20 =	simm.s32 $_scs_section_size  }
0xa0: {  	s5 =	simm.s32 $_size__tile_overlayer_lowered;
	s6 =	simm.s32 $_tile_overlayer_lowered  }
0xa1: {  	s7 =	simm.s32 $0x1BFF;
	s21 =	sshll.u32 s6, $0x1;
	s4 =	sadd.s32 s20, s19  }
0xa2: {  	s22 =	simm.s32 $0x0;
	s5 =	sshll.u32 s5, $0x1;
	s6 =	sadd.s32 s21, s4  }
0xa3: {  	[timem:s22], [sflag:s7] =	dma.local [hbm:s6], s5  }
0xa4: {  	_ =	swait.ge [sflag:s7], s5  }
0xa5: {  	s5 =	ssub.s32 $0x0, s5;
	[sflag:s7] =	ssyncset.done $0x0  }
0xa6: {  	[sflag:s7] =	ssyncadd.s32 s5;
	_ =	sdelay $0x1  }
0xa7: {  	s23 =	simm.s32 $0x1B8B  }
0xa8: {  	_ =	swait.ge [sflag:s23], $0x1  }
0xa9: {  	[sflag:s23] =	ssyncset.done $0x0  }
0xaa: {  	[sflag:s23] =	ssyncadd.s32 $0xFFFFFFFF  }
0xab: {  	s5 =	sld [smem:$0x0]  }
0xac: {  	s6 =	sand.u32 $0xFFFFFFFE, s1  }
0xad: {  	p0 =	sne.s32 s1, s6  }
0xae: {  	s6 =	sshll.u32 @p0 s6, $0xE  }
0xaf: {  	s6 =	sadd.s32 @p0 $0x11B8D, s6;
	s7 =	sshll.u32 @p0 s5, $0x11  }
0xb0: {  	s6 =	sor.u32 @p0 s7, s6  }
0xb1: {  	[sflag:s6] =	ssyncadd.remote.s32 @p0 $0x1;
	_ =	sdelay $0x1  }
0xb2: {  	s6 =	simm.s32 @p0 $0x1B8D  }
0xb3: {  	_ =	swait.eq @p0 [sflag:s6], $0x1  }
0xb4: {  	[sflag:s6] =	ssyncadd.s32 @p0 $0xFFFFFFFF  }
0xb5: {  	s7 =	sshll.u32 @!p0 s1, $0xE  }
0xb6: {  	s7 =	sor.u32 @!p0 $0x4000, s7;
	s6 =	simm.s32 @!p0 $0x1B8D  }
0xb7: {  	s5 =	sshll.u32 @!p0 s5, $0x11;
	s7 =	sadd.s32 @!p0 $0x11B8D, s7;
	_ =	swait.eq @!p0 [sflag:s6], $0x1  }
0xb8: {  	s5 =	sor.u32 @!p0 s5, s7;
	[sflag:s6] =	ssyncadd.s32 @!p0 $0xFFFFFFFF  }
0xb9: {  	s25 =	simm.s32 $0x1B8E;
	s24 =	sld [smem:$0x3FFE];
	[sflag:s5] =	ssyncadd.remote.s32 @!p0 $0x1  }
0xba: {  	s26 =	simm.s32 $execute0_lowered;
	[smem:$0x3FD2] =	sst s25  }
0xbb: {  	s6 =	sshll.u32 s26, $0x1;
	_ =	strace $0x8000004C;
	[dreg:$0x1] =	wrdreg $0xFFFFFFFF  }
0xbc: {  	s28 =	simm.s32 $_size_execute0_lowered;
	s4 =	sadd.s32 s4, s6;
	[dreg:$0x0] =	wrdreg $0x0  }
0xbd: {  	s6 =	sshll.u32 s28, $0x1;
	[dreg:$0x2] =	wrdreg s4  }
0xbe: {  	[dreg:$0x3] =	wrdreg s6  }
0xbf: {  	[dreg:$0x4] =	wrdreg $0xC0  }
0xc0: {  	_ =	task [dreg:s22], $0x5FFFF  }
0xc1: {  	[dreg:$0x1] =	wrdreg $0xFFFFFFFF  }
0xc2: {  	[dreg:$0x0] =	wrdreg $0x60  }
0xc3: {  	[dreg:$0x2] =	wrdreg s24  }
0xc4: {  	[dreg:$0x3] =	wrdreg s17  }
0xc5: {  	[dreg:$0x4] =	wrdreg $0xB  }
0xc6: {  	_ =	task.clear_ibuf [dreg:s22], $0x5FFFF;
	_ =	strace $0x9000004C  }
0xc7: {  	s29 =	simm.s32 $0xB;
	_ =	strace $0x8000004E  }
0xc8: {  	_ =	swait.ge [sflag:s29], $0x1  }
0xc9: {  	[sflag:s29] =	ssyncadd.s32 $0xFFFFFFFF  }
0xca: {  	_ =	strace $0x9000004E  }
0xcb: {  	_ =	sfence  }
0xcc: {  	s30 =	sld [smem:$0x0];
	_ =	sdelay $0x2  }
0xcd: {  	s31 =	sshll.u32 s1, $0xD;
	s1 =	sshrl.u32 s1, $0x2  }
0xce: {  	s4 =	sand.u32 $0x4000, s31;
	s1 =	sadd.s32 s1, s30  }
0xcf: {  	s0 =	sor.u32 s4, s0;
	s1 =	sshll.u32 s1, $0x11  }
0xd0: {  	s0 =	sor.u32 s1, s0  }
0xd1: {  	s0 =	sadd.s32 $0x8F2B, s0  }
0xd2: {  	[sflag:s0] =	ssyncadd.remote.s32 $0x1  }
0xd3: {  	_ =	sfence.sel $0xFFFF  }
0xd4: {  	[dreg:$0x0] =	wrdreg $0xFFFFFFFF;
	(pc) =	sbr.abs _section_cstart, $3  }
0xd5: {  	[dreg:$0x1] =	wrdreg $0xFFFFFFFF  }
0xd6: {  	_ =	task.clear_ibuf [dreg:s22], $0x2FFFF;
	_ =	strace $0x9FFFFFFF  }
0xd7: {  	(tm) =	ssettm $0x7FFFFFFF  }
tec
execute0_lowered:
.L_overlay_start_1:
0x0: {  	(tag) =	ssettag $0x1  }
0x1: {  	s4 =	rddreg [dreg:$0x0]  }
0x2: {  	s6 =	rddreg [dreg:$0x1]  }
0x3: {  	s0 =	rddreg [dreg:$0x2];
	s2 =	simm.s32 $0x0;
	s1 =	stileid.u32  }
0x4: {  	s3 =	srdreg.scid;
	[smem:$0x7FF] =	sst s2  }
0x5: {  	s5 =	sshll.u32 s1, $0x11;
	s7 =	sand.u32 $0x1, s3;
	s3 =	sadd.s32 $0x8E00, s4  }
0x6: {  	s9 =	sshll.u32 s1, $0xD;
	_ =	strace $0x8000004D;
	s5 =	sadd.s32 s5, s4  }
0x7: {  	s29 =	ssub.s32 $0x2, s7;
	s10 =	sshll.u32 s7, $0xC;
	s7 =	sshll.u32 s7, $0x10  }
0x8: {  	s8 =	sshrl.u32 s29, $0x1;
	s30 =	sor.u32 s10, s9;
	s5 =	sadd.s32 s7, s5  }
0x9: {  	s7 =	simm.s32 $0x2;
	s9 =	simm.s32 $0x1;
	s10 =	simm.s32 $0x0  }
0xa: {  	s4 =	ssub.s32 s29, s8;
	s31 =	sshrl.u32 s30, $0x3;
	s5 =	sadd.s32 $0x20AE00, s5  }
0xb: {  	s8 =	simm.s32 $0x200;
	s4 =	smax.u32 s4, $0x1;
	s6 =	sadd.s32 s31, s6  }
.LBB2_1:
0xc: {  	s11 =	sadd.s32 $0x0, s6  }
0xd: {  	[tilespmem:s2], [sflag:$0x2] =	stream.linear.gather [hbm4b:s11+s2], $0x200, $0x38;
	[tilespmem:$0x10200] =	vst v63  }
0xe: {  	_ =	swait.ge [sflag:s7], $0x200  }
0xf: {  	[sflag:s7] =	ssyncset.done $0x0  }
0x10: {  	[sflag:s7] =	ssyncadd.s32 $0xFFFFFE00  }
0x11: {  	[tilespmem:s8], [sflag:$0x1] =	stream.indirect.gather [hbm4b:s3+s8], $0x80, s2, s8, $0xb8;
	[tilespmem:$0x10200] =	vst v63  }
0x12: {  	_ =	swait.ge [sflag:s9], $0x10000  }
0x13: {  	[sflag:s9] =	ssyncset.done $0x0  }
0x14: {  	[sflag:s9] =	ssyncadd.s32 $0xFFFF0000  }
0x15: {  	[hbm4b:s5+s2] =	stream.linear.scatter [tilespmem:s8], [sflag:$0x2], $0x10000, $0x38;
	[tilespmem:$0x10200] =	vst v63  }
0x16: {  	s12 =	simm.s32 $0x40;
	_ =	swait.ge [sflag:s7], $0x10000  }
0x17: {  	s13 =	simm.s32 $0x80;
	s11 =	sadd.s32 $0x2000, s5;
	[sflag:s7] =	ssyncset.done $0x0  }
.LBB2_2:
0x18: {  	s14 =	sadd.s32 s12, s6  }
0x19: {  	[sflag:s7] =	ssyncadd.s32 $0xFFFF0000;
	s12 =	smov.u32 s13;
	s15 =	sadd.s32 $0x40, s13  }
0x1a: {  	[tilespmem:s2], [sflag:$0x2] =	stream.linear.gather [hbm4b:s14+s2], $0x200, $0x38;
	[tilespmem:$0x10200] =	vst v63  }
0x1b: {  	p0 =	sne.s32 s13, $0x1C0;
	_ =	swait.ge [sflag:s7], $0x200  }
0x1c: {  	[sflag:s7] =	ssyncset.done $0x0  }
0x1d: {  	[sflag:s7] =	ssyncadd.s32 $0xFFFFFE00  }
0x1e: {  	[tilespmem:s8], [sflag:$0x1] =	stream.indirect.gather [hbm4b:s3+s8], $0x80, s2, s8, $0xb8;
	[tilespmem:$0x10200] =	vst v63  }
0x1f: {  	_ =	swait.ge [sflag:s9], $0x10000  }
.Ltmp0:
0x20: {  	[sflag:s9] =	ssyncset.done $0x0;
	(pc) =	sbr.rel @p0 .LBB2_2-.Ltmp0, $4  }
0x21: {  	[sflag:s9] =	ssyncadd.s32 $0xFFFF0000  }
0x22: {  	[hbm4b:s11+s2] =	stream.linear.scatter [tilespmem:s8], [sflag:$0x2], $0x10000, $0x38;
	[tilespmem:$0x10200] =	vst v63  }
0x23: {  	_ =	swait.ge [sflag:s7], $0x10000  }
0x24: {  	s13 =	smov.u32 s15;
	s11 =	sadd.s32 $0x2000, s11;
	[sflag:s7] =	ssyncset.done $0x0  }
0x25: {  	s12 =	sadd.s32 s12, s6;
	[sflag:s7] =	ssyncadd.s32 $0xFFFF0000  }
0x26: {  	[tilespmem:s2], [sflag:$0x2] =	stream.linear.gather [hbm4b:s12+s2], $0x200, $0x38;
	[tilespmem:$0x10200] =	vst v63  }
0x27: {  	_ =	swait.ge [sflag:s7], $0x200  }
0x28: {  	[sflag:s7] =	ssyncset.done $0x0  }
0x29: {  	[sflag:s7] =	ssyncadd.s32 $0xFFFFFE00  }
0x2a: {  	[tilespmem:s8], [sflag:$0x1] =	stream.indirect.gather [hbm4b:s3+s8], $0x80, s2, s8, $0xb8;
	[tilespmem:$0x10200] =	vst v63  }
0x2b: {  	s10 =	sadd.s32 $0x1, s10;
	_ =	swait.ge [sflag:s9], $0x10000  }
0x2c: {  	p0 =	sne.s32 s10, s4;
	[sflag:s9] =	ssyncset.done $0x0  }
.Ltmp1:
0x2d: {  	[sflag:s9] =	ssyncadd.s32 $0xFFFF0000;
	(pc) =	sbr.rel @p0 .LBB2_1-.Ltmp1, $4  }
0x2e: {  	[hbm4b:s11+s2] =	stream.linear.scatter [tilespmem:s8], [sflag:$0x2], $0x10000, $0x38;
	[tilespmem:$0x10200] =	vst v63  }
0x2f: {  	_ =	swait.ge [sflag:s7], $0x10000  }
0x30: {  	[sflag:s7] =	ssyncset.done $0x0  }
0x31: {  	[sflag:s7] =	ssyncadd.s32 $0xFFFF0000  }
0x32: {  	_ =	sfence.sel $0x180000  }
0x33: {  	[bflag:$0x0] =	sbarrier.arrive $0xFFFF  }
0x34: {  	p0 =	sne.s32 s1, $0x0;
	_ =	strace $0x9000004D  }
0x35: {  	s0 =	sadd.s32 @!p0 $0x100000, s0;
	[bflag:$0x2] =	sbarrier.arrive $0xFFFF  }
0x36: {  	[sflag:s0] =	ssyncadd.tile.s32 @!p0 $0x1;
	_ =	shalt  }
.Lfunc_end2:
_tile_overlayer_lowered:
.L_overlay_start_2:
0x37: {  	(tag) =	ssettag $0x2  }
0x38: {  	s0 =	rddreg [dreg:$0x0];
	s2 =	stileid.u32  }
0x39: {  	s1 =	rddreg [dreg:$0x1];
	p0 =	sne.s32 s2, $0x0  }
0x3a: {  	s3 =	rddreg [dreg:$0x2];
	[bflag:$0x3] =	sbarrier.arrive $0xFFFF;
	s2 =	simm.s32 @!p0 $0x1C02  }
0x3b: {  	[timem:s3], [sflag:s2] =	dma.local @!p0 [hbm:s0], s1  }
0x3c: {  	s0 =	simm.s32 @!p0 $0x2  }
0x3d: {  	_ =	swait.ge @!p0 [sflag:s0], s1  }
0x3e: {  	s1 =	ssub.s32 @!p0 $0x0, s1;
	[sflag:s0] =	ssyncset.done @!p0 $0x0  }
0x3f: {  	[sflag:s0] =	ssyncadd.s32 @!p0 s1  }
0x40: {  	[bflag:$0x3] =	sbarrier.arrive $0xFFFF  }
0x41: {  	_ =	shalt  }

</sc_bundles>
